<compile_context>
chip_gen: v7x
topology: tpu7x:2x2x1
jax: 0.10.2.dev20260603
libtpu: 0.0.44.dev20260713+nightly
codegen_flags: <defaults>
</compile_context>

<pallas_src>
import functools

import jax
import jax.numpy as jnp
from jax import lax
from jax.experimental import pallas as pl
from jax.experimental.pallas import tpu as pltpu
from jax.experimental.pallas import tpu_sc as plsc

N_NODES = 10000
N_EDGES = 320000
D_IN = 128
D_OUT = 128

NC = 2
NS = 16
NW = NC * NS
CH = 125
DEXT = D_IN + 16
NACC = N_NODES
ROWS_PER_TILE = NACC // NS
EPT = N_EDGES // NW
CPT = EPT // CH
NRB = 4


def _sc_body(hext_hbm, idx_hbm, zeros_hbm, feat_out, cnt_out,
             src_v, dst_v, rows, acc_sh, gsems, ssems):
    c = lax.axis_index("c")
    s = lax.axis_index("s")
    wid = s * NC + c
    my_rows = pl.ds(s * ROWS_PER_TILE, ROWS_PER_TILE)
    pltpu.sync_copy(zeros_hbm, acc_sh.at[my_rows])
    pltpu.sync_copy(idx_hbm.at[0, wid], src_v)
    pltpu.sync_copy(idx_hbm.at[1, wid], dst_v)
    plsc.subcore_barrier()

    def steps(j, dj):
        k = dj % NRB

        @pl.when((j >= 4) & (j < CPT + 4))
        def _drain_scatter():
            pltpu.make_async_copy(
                rows[k], acc_sh.at[dst_v.at[j - 4]], ssems[k]).wait()

        @pl.when(j < CPT)
        def _gather():
            pltpu.async_copy(hext_hbm.at[src_v.at[j]], rows[k], gsems[k])

        @pl.when((j >= 2) & (j < CPT + 2))
        def _scatter():
            kk = (dj - 2) % NRB
            pltpu.make_async_copy(
                hext_hbm.at[src_v.at[j - 2]], rows[kk], gsems[kk]).wait()
            pltpu.async_copy(rows[kk], acc_sh.at[dst_v.at[j - 2]],
                             ssems[kk], add=True)

    def block(bi, carry):
        j0 = bi * NRB
        for dj in range(NRB):
            steps(j0 + dj, dj)
        return carry

    lax.fori_loop(0, (CPT + 4 + NRB - 1) // NRB + 1, block, 0)
    plsc.subcore_barrier()
    pltpu.sync_copy(acc_sh.at[my_rows, pl.ds(0, D_IN)],
                    feat_out.at[c, my_rows])
    pltpu.sync_copy(acc_sh.at[my_rows, pl.ds(D_IN, DEXT - D_IN)],
                    cnt_out.at[c, my_rows])


def _sc_aggregate(hext, idx4, zeros_slab):
    mesh = plsc.VectorSubcoreMesh(core_axis_name="c", subcore_axis_name="s")
    f = pl.kernel(
        _sc_body,
        out_type=(jax.ShapeDtypeStruct((NC, NACC, D_IN), jnp.bfloat16),
                  jax.ShapeDtypeStruct((NC, NACC, DEXT - D_IN), jnp.bfloat16)),
        mesh=mesh,
        compiler_params=pltpu.CompilerParams(use_tc_tiling_on_sc=False),
        scratch_types=[
            pltpu.VMEM((CPT, CH), jnp.int32),
            pltpu.VMEM((CPT, CH), jnp.int32),
            [pltpu.VMEM((CH, DEXT), jnp.bfloat16) for _ in range(NRB)],
            pltpu.VMEM_SHARED((NACC, DEXT), jnp.bfloat16),
            [pltpu.SemaphoreType.DMA for _ in range(NRB)],
            [pltpu.SemaphoreType.DMA for _ in range(NRB)],
        ],
    )
    return f(hext, idx4, zeros_slab)


def _tc_body(h_ref, feat_ref, cnt_ref, w_ref, b_ref, o_ref):
    sums = feat_ref[0].astype(jnp.float32) + feat_ref[1].astype(jnp.float32)
    c0 = cnt_ref[0].astype(jnp.float32)
    c1 = cnt_ref[1].astype(jnp.float32)
    cnt = c0[:, 0:1] + c1[:, 0:1]
    neigh = sums / jnp.maximum(cnt, 1.0)
    r = lax.dot_general(h_ref[...], w_ref[:, :D_IN],
                        (((1,), (1,)), ((), ())),
                        preferred_element_type=jnp.float32)
    r = r + lax.dot_general(neigh, w_ref[:, D_IN:],
                            (((1,), (1,)), ((), ())),
                            preferred_element_type=jnp.float32)
    o_ref[...] = jnp.maximum(r + b_ref[...], 0.0)


def _tc_finish(h_pad, feat, cnt, W, b2, interpret=False):
    R = 1000
    grid = (NACC // R,)
    return pl.pallas_call(
        _tc_body,
        grid=grid,
        in_specs=[
            pl.BlockSpec((R, D_IN), lambda i: (i, 0)),
            pl.BlockSpec((NC, R, D_IN), lambda i: (0, i, 0)),
            pl.BlockSpec((NC, R, DEXT - D_IN), lambda i: (0, i, 0)),
            pl.BlockSpec((D_IN, 2 * D_IN), lambda i: (0, 0)),
            pl.BlockSpec((1, D_OUT), lambda i: (0, 0)),
        ],
        out_specs=pl.BlockSpec((R, D_OUT), lambda i: (i, 0)),
        out_shape=jax.ShapeDtypeStruct((NACC, D_OUT), jnp.float32),
        interpret=interpret,
    )(h_pad, feat, cnt, W, b2)


def _hext_body(h_ref, o_ref):
    blk = h_ref[...].astype(jnp.bfloat16)
    ones = jnp.concatenate(
        [jnp.ones(blk.shape[:1] + (1,), jnp.bfloat16),
         jnp.zeros(blk.shape[:1] + (DEXT - D_IN - 1,), jnp.bfloat16)], axis=1)
    o_ref[...] = jnp.concatenate([blk, ones], axis=1)


def _hext_build(h):
    R = 1000
    return pl.pallas_call(
        _hext_body,
        grid=(N_NODES // R,),
        in_specs=[pl.BlockSpec((R, D_IN), lambda i: (i, 0))],
        out_specs=pl.BlockSpec((R, DEXT), lambda i: (i, 0)),
        out_shape=jax.ShapeDtypeStruct((N_NODES, DEXT), jnp.bfloat16),
    )(h)


def kernel(h, edge_index, W, b):
    idx4 = edge_index.astype(jnp.int32).reshape(2, NW, CPT, CH)
    hext = _hext_build(h)
    zeros_slab = jnp.zeros((ROWS_PER_TILE, DEXT), jnp.bfloat16)

    feat, cnt = _sc_aggregate(hext, idx4, zeros_slab)
    return _tc_finish(h, feat, cnt, W, b.reshape(1, D_OUT))

# --- scband reference (transcript-rebuilt; emitter-appended) ---
"""Pipeline reference for scband-one-conv-sage-50448685859137 (READ-ONLY COPY).

The authoritative reference and input builder live on the scoring server;
editing this copy changes nothing except your own understanding.
"""

import jax, jax.numpy as jnp
import numpy as np

N_NODES = 10000
N_EDGES = 320000
D_IN = 128
D_OUT = 128

def setup_inputs(seed: int = 0) -> dict:
    key = jax.random.key(seed)
    k1, k2, k3, k4 = jax.random.split(key, 4)
    h = jax.random.normal(k1, (N_NODES, D_IN), dtype=jnp.float32)
    edge_index = jax.random.randint(k2, (2, N_EDGES), 0, N_NODES, dtype=jnp.int64)
    # nn.Linear(in_feat*2, out_feat): weight [out, in*2], bias [out]
    bound = 1.0 / np.sqrt(D_IN * 2)
    W = jax.random.uniform(k3, (D_OUT, D_IN * 2), minval=-bound, maxval=bound, dtype=jnp.float32)
    b = jax.random.uniform(k4, (D_OUT,), minval=-bound, maxval=bound, dtype=jnp.float32)
    return {"h": h, "edge_index": edge_index, "W": W, "b": b}

def reference(h, edge_index, W, b):
    src = edge_index[0]
    dst = edge_index[1]
    # copy_u('h','m') then mean('m','h_neigh'): mean of source features over in-edges of each dst node
    msgs = jnp.take(h, src, axis=0)  # gather [E, D]
    sums = jax.ops.segment_sum(msgs, dst, num_segments=N_NODES)
    counts = jax.ops.segment_sum(jnp.ones((edge_index.shape[1],), dtype=h.dtype), dst, num_segments=N_NODES)
    h_neigh = sums / jnp.maximum(counts, 1.0)[:, None]
    h_total = jnp.concatenate([h, h_neigh], axis=1)
    out = h_total @ W.T + b
    return jax.nn.relu(out)

if __name__ == "__main__":
    import jax
    _d = setup_inputs()
    print(jax.jit(kernel)(*tuple(_d.values())))

</pallas_src>

<mosaic_0001>
#map = affine_map<(d0, d1) -> (0, 0)>
#map1 = affine_map<(d0, d1) -> (0, 0, 0, 0)>
#map2 = affine_map<(d0, d1) -> (0, 0, 0)>
module attributes {stable_mosaic.version = 14 : i64} {
  func.func @_sc_body(%arg0: i32, %arg1: i32, %arg2: memref<10000x144xbf16, #tpu.memory_space<hbm>>, %arg3: memref<2x32x80x125xi32, #tpu.memory_space<hbm>>, %arg4: memref<625x144xbf16, #tpu.memory_space<hbm>>, %arg5: memref<2x10000x128xbf16, #tpu.memory_space<hbm>>, %arg6: memref<2x10000x16xbf16, #tpu.memory_space<hbm>>, %arg7: memref<80x125xi32, #tpu.memory_space<vmem>>, %arg8: memref<80x125xi32, #tpu.memory_space<vmem>>, %arg9: memref<125x144xbf16, #tpu.memory_space<vmem>>, %arg10: memref<125x144xbf16, #tpu.memory_space<vmem>>, %arg11: memref<125x144xbf16, #tpu.memory_space<vmem>>, %arg12: memref<125x144xbf16, #tpu.memory_space<vmem>>, %arg13: memref<10000x144xbf16, #tpu.memory_space<vmem_shared>>, %arg14: memref<!tpu.dma_semaphore, #tpu.memory_space<semaphore_mem>>, %arg15: memref<!tpu.dma_semaphore, #tpu.memory_space<semaphore_mem>>, %arg16: memref<!tpu.dma_semaphore, #tpu.memory_space<semaphore_mem>>, %arg17: memref<!tpu.dma_semaphore, #tpu.memory_space<semaphore_mem>>, %arg18: memref<!tpu.dma_semaphore, #tpu.memory_space<semaphore_mem>>, %arg19: memref<!tpu.dma_semaphore, #tpu.memory_space<semaphore_mem>>, %arg20: memref<!tpu.dma_semaphore, #tpu.memory_space<semaphore_mem>>, %arg21: memref<!tpu.dma_semaphore, #tpu.memory_space<semaphore_mem>>) attributes {dimension_semantics = [#tpu.dimension_semantics<core_parallel>, #tpu.dimension_semantics<subcore_parallel>], iteration_bounds = array<i64: 2, 16>, scalar_prefetch = 0 : i64, scratch_operands = 15 : i64, tpu.core_type = #tpu.core_type<sc_vector_subcore>, window_params = [{transform_indices = #map}, {transform_indices = #map1}, {transform_indices = #map}, {transform_indices = #map2}, {transform_indices = #map2}]} {
    %mul3A = arith.constant 2 : i32
    %mul3A_0 = arith.muli %arg1, %mul3A : i32
    %add3A = arith.addi %mul3A_0, %arg0 : i32
    %mul3A_1 = arith.constant 625 : i32
    %mul3A_2 = arith.muli %arg1, %mul3A_1 : i32
    "tpu.region"() ({
      %run_scoped3A_10 = tpu.sem_alloc : memref<!tpu.dma_semaphore, #tpu.memory_space<semaphore_mem>>
      %dma_start3A = arith.constant 0 : i32
      %dma_start3A_11 = tpu.memref_slice %arg13[%mul3A_2, %dma_start3A] : memref<10000x144xbf16, #tpu.memory_space<vmem_shared>> -> memref<625x144xbf16, #tpu.memory_space<vmem_shared>>
      tpu.enqueue_dma source(%arg4 : memref<625x144xbf16, #tpu.memory_space<hbm>>) target(%dma_start3A_11 : memref<625x144xbf16, #tpu.memory_space<vmem_shared>>) target_semaphore(%run_scoped3A_10 : memref<!tpu.dma_semaphore, #tpu.memory_space<semaphore_mem>>)
      %dma_wait3A = arith.constant 0 : i32
      %dma_wait3A_12 = tpu.memref_slice %arg13[%mul3A_2, %dma_wait3A] : memref<10000x144xbf16, #tpu.memory_space<vmem_shared>> -> memref<625x144xbf16, #tpu.memory_space<vmem_shared>>
      tpu.wait_dma2 semaphore(%run_scoped3A_10 : memref<!tpu.dma_semaphore, #tpu.memory_space<semaphore_mem>>) src(%arg4 : memref<625x144xbf16, #tpu.memory_space<hbm>>) dst(%dma_wait3A_12 : memref<625x144xbf16, #tpu.memory_space<vmem_shared>>)
      tpu.yield
    }) : () -> ()
    %run_scoped3A = arith.constant 0 : i32
    "tpu.region"() ({
      %run_scoped3A_10 = tpu.sem_alloc : memref<!tpu.dma_semaphore, #tpu.memory_space<semaphore_mem>>
      %dma_start3A = arith.constant 0 : i32
      %dma_start3A_11 = arith.constant 0 : i32
      %dma_start3A_12 = tpu.memref_slice %arg3[%run_scoped3A, %add3A, %dma_start3A, %dma_start3A_11] : memref<2x32x80x125xi32, #tpu.memory_space<hbm>> -> memref<1x1x80x125xi32, #tpu.memory_space<hbm>>
      %dma_start3A_13 = tpu.memref_squeeze %dma_start3A_12 : memref<1x1x80x125xi32, #tpu.memory_space<hbm>> -> memref<80x125xi32, #tpu.memory_space<hbm>>
      %dma_start3A_14 = arith.constant 0 : i32
      %dma_start3A_15 = arith.constant 0 : i32
      %dma_start3A_16 = tpu.memref_slice %arg3[%run_scoped3A, %add3A, %dma_start3A_14, %dma_start3A_15] : memref<2x32x80x125xi32, #tpu.memory_space<hbm>> -> memref<1x1x80x125xi32, #tpu.memory_space<hbm>>
      %dma_start3A_17 = tpu.memref_squeeze %dma_start3A_16 : memref<1x1x80x125xi32, #tpu.memory_space<hbm>> -> memref<80x125xi32, #tpu.memory_space<hbm>>
      tpu.enqueue_dma source(%dma_start3A_17 : memref<80x125xi32, #tpu.memory_space<hbm>>) target(%arg7 : memref<80x125xi32, #tpu.memory_space<vmem>>) target_semaphore(%run_scoped3A_10 : memref<!tpu.dma_semaphore, #tpu.memory_space<semaphore_mem>>)
      %dma_wait3A = arith.constant 0 : i32
      %dma_wait3A_18 = arith.constant 0 : i32
      %dma_wait3A_19 = tpu.memref_slice %arg3[%run_scoped3A, %add3A, %dma_wait3A, %dma_wait3A_18] : memref<2x32x80x125xi32, #tpu.memory_space<hbm>> -> memref<1x1x80x125xi32, #tpu.memory_space<hbm>>
      %dma_wait3A_20 = tpu.memref_squeeze %dma_wait3A_19 : memref<1x1x80x125xi32, #tpu.memory_space<hbm>> -> memref<80x125xi32, #tpu.memory_space<hbm>>
      %dma_wait3A_21 = arith.constant 0 : i32
      %dma_wait3A_22 = arith.constant 0 : i32
      %dma_wait3A_23 = tpu.memref_slice %arg3[%run_scoped3A, %add3A, %dma_wait3A_21, %dma_wait3A_22] : memref<2x32x80x125xi32, #tpu.memory_space<hbm>> -> memref<1x1x80x125xi32, #tpu.memory_space<hbm>>
      %dma_wait3A_24 = tpu.memref_squeeze %dma_wait3A_23 : memref<1x1x80x125xi32, #tpu.memory_space<hbm>> -> memref<80x125xi32, #tpu.memory_space<hbm>>
      tpu.wait_dma2 semaphore(%run_scoped3A_10 : memref<!tpu.dma_semaphore, #tpu.memory_space<semaphore_mem>>) src(%dma_wait3A_24 : memref<80x125xi32, #tpu.memory_space<hbm>>) dst(%arg7 : memref<80x125xi32, #tpu.memory_space<vmem>>)
      tpu.yield
    }) : () -> ()
    %run_scoped3A_3 = arith.constant 1 : i32
    "tpu.region"() ({
      %run_scoped3A_10 = tpu.sem_alloc : memref<!tpu.dma_semaphore, #tpu.memory_space<semaphore_mem>>
      %dma_start3A = arith.constant 0 : i32
      %dma_start3A_11 = arith.constant 0 : i32
      %dma_start3A_12 = tpu.memref_slice %arg3[%run_scoped3A_3, %add3A, %dma_start3A, %dma_start3A_11] : memref<2x32x80x125xi32, #tpu.memory_space<hbm>> -> memref<1x1x80x125xi32, #tpu.memory_space<hbm>>
      %dma_start3A_13 = tpu.memref_squeeze %dma_start3A_12 : memref<1x1x80x125xi32, #tpu.memory_space<hbm>> -> memref<80x125xi32, #tpu.memory_space<hbm>>
      %dma_start3A_14 = arith.constant 0 : i32
      %dma_start3A_15 = arith.constant 0 : i32
      %dma_start3A_16 = tpu.memref_slice %arg3[%run_scoped3A_3, %add3A, %dma_start3A_14, %dma_start3A_15] : memref<2x32x80x125xi32, #tpu.memory_space<hbm>> -> memref<1x1x80x125xi32, #tpu.memory_space<hbm>>
      %dma_start3A_17 = tpu.memref_squeeze %dma_start3A_16 : memref<1x1x80x125xi32, #tpu.memory_space<hbm>> -> memref<80x125xi32, #tpu.memory_space<hbm>>
      tpu.enqueue_dma source(%dma_start3A_17 : memref<80x125xi32, #tpu.memory_space<hbm>>) target(%arg8 : memref<80x125xi32, #tpu.memory_space<vmem>>) target_semaphore(%run_scoped3A_10 : memref<!tpu.dma_semaphore, #tpu.memory_space<semaphore_mem>>)
      %dma_wait3A = arith.constant 0 : i32
      %dma_wait3A_18 = arith.constant 0 : i32
      %dma_wait3A_19 = tpu.memref_slice %arg3[%run_scoped3A_3, %add3A, %dma_wait3A, %dma_wait3A_18] : memref<2x32x80x125xi32, #tpu.memory_space<hbm>> -> memref<1x1x80x125xi32, #tpu.memory_space<hbm>>
      %dma_wait3A_20 = tpu.memref_squeeze %dma_wait3A_19 : memref<1x1x80x125xi32, #tpu.memory_space<hbm>> -> memref<80x125xi32, #tpu.memory_space<hbm>>
      %dma_wait3A_21 = arith.constant 0 : i32
      %dma_wait3A_22 = arith.constant 0 : i32
      %dma_wait3A_23 = tpu.memref_slice %arg3[%run_scoped3A_3, %add3A, %dma_wait3A_21, %dma_wait3A_22] : memref<2x32x80x125xi32, #tpu.memory_space<hbm>> -> memref<1x1x80x125xi32, #tpu.memory_space<hbm>>
      %dma_wait3A_24 = tpu.memref_squeeze %dma_wait3A_23 : memref<1x1x80x125xi32, #tpu.memory_space<hbm>> -> memref<80x125xi32, #tpu.memory_space<hbm>>
      tpu.wait_dma2 semaphore(%run_scoped3A_10 : memref<!tpu.dma_semaphore, #tpu.memory_space<semaphore_mem>>) src(%dma_wait3A_24 : memref<80x125xi32, #tpu.memory_space<hbm>>) dst(%arg8 : memref<80x125xi32, #tpu.memory_space<vmem>>)
      tpu.yield
    }) : () -> ()
    %barrier3A = arith.constant 0 : index
    tpu.barrier barrier_id(%barrier3A)
    %scan3A = arith.constant 0 : i32
    %scan3A_4 = arith.constant 0 : i32
    %scan3A_5 = arith.constant 22 : i32
    %scan3A_6 = arith.addi %scan3A_4, %scan3A_5 : i32
    %scan3A_7 = arith.constant 1 : i32
    scf.for %scan3A_10 = %scan3A_4 to %scan3A_6 step %scan3A_7  : i32 {
      %mul3A_11 = arith.constant 4 : i32
      %mul3A_12 = arith.muli %scan3A_10, %mul3A_11 : i32
      %add3A_13 = arith.constant 0 : i32
      %add3A_14 = arith.addi %mul3A_12, %add3A_13 : i32
      %ge3A = arith.constant 4 : i32
      %ge3A_15 = arith.cmpi sge, %add3A_14, %ge3A : i32
      %lt3A = arith.constant 84 : i32
      %lt3A_16 = arith.cmpi slt, %add3A_14, %lt3A : i32
      %and3A = arith.andi %ge3A_15, %lt3A_16 : i1
      %convert_element_type3A = arith.extui %and3A : i1 to i32
      %cond3A = arith.constant 0 : i32
      %cond3A_17 = arith.cmpi ne, %convert_element_type3A, %cond3A : i32
      scf.if %cond3A_17 {
        %sub3A = arith.constant 4 : i32
        %sub3A_100 = arith.subi %add3A_14, %sub3A : i32
        %dma_wait3A = arith.constant 0 : i32
        %dma_wait3A_101 = tpu.memref_slice %arg8[%sub3A_100, %dma_wait3A] : memref<80x125xi32, #tpu.memory_space<vmem>> -> memref<1x125xi32, #tpu.memory_space<vmem>>
        %dma_wait3A_102 = tpu.memref_squeeze %dma_wait3A_101 : memref<1x125xi32, #tpu.memory_space<vmem>> -> memref<125xi32, #tpu.memory_space<vmem>>
        %dma_wait3A_103 = arith.constant 0 : i32
        %dma_wait3A_104 = arith.constant 0 : i32
        %dma_wait3A_105 = tpu.memref_slice %arg13[%dma_wait3A_103, %dma_wait3A_104] : memref<10000x144xbf16, #tpu.memory_space<vmem_shared>> -> memref<10000x144xbf16, #tpu.memory_space<vmem_shared>>
        tpu.wait_indirect_dma semaphore(%arg18 : memref<!tpu.dma_semaphore, #tpu.memory_space<semaphore_mem>>) src(%arg9 : memref<125x144xbf16, #tpu.memory_space<vmem>>) dst(%dma_wait3A_105 : memref<10000x144xbf16, #tpu.memory_space<vmem_shared>>)
      } else {
      }
      %lt3A_18 = arith.constant 80 : i32
      %lt3A_19 = arith.cmpi slt, %add3A_14, %lt3A_18 : i32
      %convert_element_type3A_20 = arith.extui %lt3A_19 : i1 to i32
      %cond3A_21 = arith.constant 0 : i32
      %cond3A_22 = arith.cmpi ne, %convert_element_type3A_20, %cond3A_21 : i32
      scf.if %cond3A_22 {
        %dma_start3A = arith.constant 0 : i32
        %dma_start3A_100 = tpu.memref_slice %arg7[%add3A_14, %dma_start3A] : memref<80x125xi32, #tpu.memory_space<vmem>> -> memref<1x125xi32, #tpu.memory_space<vmem>>
        %dma_start3A_101 = tpu.memref_squeeze %dma_start3A_100 : memref<1x125xi32, #tpu.memory_space<vmem>> -> memref<125xi32, #tpu.memory_space<vmem>>
        %dma_start3A_102 = arith.constant 0 : i32
        %dma_start3A_103 = arith.constant 0 : i32
        %dma_start3A_104 = tpu.memref_slice %arg2[%dma_start3A_102, %dma_start3A_103] : memref<10000x144xbf16, #tpu.memory_space<hbm>> -> memref<10000x144xbf16, #tpu.memory_space<hbm>>
        tpu.enqueue_indirect_dma source(%dma_start3A_104 : memref<10000x144xbf16, #tpu.memory_space<hbm>>) target(%arg9 : memref<125x144xbf16, #tpu.memory_space<vmem>>) offsets(%dma_start3A_101 : memref<125xi32, #tpu.memory_space<vmem>>) semaphore(%arg14 : memref<!tpu.dma_semaphore, #tpu.memory_space<semaphore_mem>>)
      } else {
      }
      %ge3A_23 = arith.constant 2 : i32
      %ge3A_24 = arith.cmpi sge, %add3A_14, %ge3A_23 : i32
      %lt3A_25 = arith.constant 82 : i32
      %lt3A_26 = arith.cmpi slt, %add3A_14, %lt3A_25 : i32
      %and3A_27 = arith.andi %ge3A_24, %lt3A_26 : i1
      %convert_element_type3A_28 = arith.extui %and3A_27 : i1 to i32
      %cond3A_29 = arith.constant 0 : i32
      %cond3A_30 = arith.cmpi ne, %convert_element_type3A_28, %cond3A_29 : i32
      scf.if %cond3A_30 {
        %sub3A = arith.constant 2 : i32
        %sub3A_100 = arith.subi %add3A_14, %sub3A : i32
        %dma_wait3A = arith.constant 0 : i32
        %dma_wait3A_101 = tpu.memref_slice %arg7[%sub3A_100, %dma_wait3A] : memref<80x125xi32, #tpu.memory_space<vmem>> -> memref<1x125xi32, #tpu.memory_space<vmem>>
        %dma_wait3A_102 = tpu.memref_squeeze %dma_wait3A_101 : memref<1x125xi32, #tpu.memory_space<vmem>> -> memref<125xi32, #tpu.memory_space<vmem>>
        %dma_wait3A_103 = arith.constant 0 : i32
        %dma_wait3A_104 = arith.constant 0 : i32
        %dma_wait3A_105 = tpu.memref_slice %arg2[%dma_wait3A_103, %dma_wait3A_104] : memref<10000x144xbf16, #tpu.memory_space<hbm>> -> memref<10000x144xbf16, #tpu.memory_space<hbm>>
        tpu.wait_indirect_dma semaphore(%arg16 : memref<!tpu.dma_semaphore, #tpu.memory_space<semaphore_mem>>) src(%dma_wait3A_105 : memref<10000x144xbf16, #tpu.memory_space<hbm>>) dst(%arg11 : memref<125x144xbf16, #tpu.memory_space<vmem>>)
        %sub3A_106 = arith.constant 2 : i32
        %sub3A_107 = arith.subi %add3A_14, %sub3A_106 : i32
        %dma_start3A = arith.constant 0 : i32
        %dma_start3A_108 = tpu.memref_slice %arg8[%sub3A_107, %dma_start3A] : memref<80x125xi32, #tpu.memory_space<vmem>> -> memref<1x125xi32, #tpu.memory_space<vmem>>
        %dma_start3A_109 = tpu.memref_squeeze %dma_start3A_108 : memref<1x125xi32, #tpu.memory_space<vmem>> -> memref<125xi32, #tpu.memory_space<vmem>>
        %dma_start3A_110 = arith.constant 0 : i32
        %dma_start3A_111 = arith.constant 0 : i32
        %dma_start3A_112 = tpu.memref_slice %arg13[%dma_start3A_110, %dma_start3A_111] : memref<10000x144xbf16, #tpu.memory_space<vmem_shared>> -> memref<10000x144xbf16, #tpu.memory_space<vmem_shared>>
        tpu.enqueue_indirect_dma source(%arg11 : memref<125x144xbf16, #tpu.memory_space<vmem>>) target(%dma_start3A_112 : memref<10000x144xbf16, #tpu.memory_space<vmem_shared>>) offsets(%dma_start3A_109 : memref<125xi32, #tpu.memory_space<vmem>>) semaphore(%arg20 : memref<!tpu.dma_semaphore, #tpu.memory_space<semaphore_mem>>) {add = true}
      } else {
      }
      %add3A_31 = arith.constant 1 : i32
      %add3A_32 = arith.addi %mul3A_12, %add3A_31 : i32
      %ge3A_33 = arith.constant 4 : i32
      %ge3A_34 = arith.cmpi sge, %add3A_32, %ge3A_33 : i32
      %lt3A_35 = arith.constant 84 : i32
      %lt3A_36 = arith.cmpi slt, %add3A_32, %lt3A_35 : i32
      %and3A_37 = arith.andi %ge3A_34, %lt3A_36 : i1
      %convert_element_type3A_38 = arith.extui %and3A_37 : i1 to i32
      %cond3A_39 = arith.constant 0 : i32
      %cond3A_40 = arith.cmpi ne, %convert_element_type3A_38, %cond3A_39 : i32
      scf.if %cond3A_40 {
        %sub3A = arith.constant 4 : i32
        %sub3A_100 = arith.subi %add3A_32, %sub3A : i32
        %dma_wait3A = arith.constant 0 : i32
        %dma_wait3A_101 = tpu.memref_slice %arg8[%sub3A_100, %dma_wait3A] : memref<80x125xi32, #tpu.memory_space<vmem>> -> memref<1x125xi32, #tpu.memory_space<vmem>>
        %dma_wait3A_102 = tpu.memref_squeeze %dma_wait3A_101 : memref<1x125xi32, #tpu.memory_space<vmem>> -> memref<125xi32, #tpu.memory_space<vmem>>
        %dma_wait3A_103 = arith.constant 0 : i32
        %dma_wait3A_104 = arith.constant 0 : i32
        %dma_wait3A_105 = tpu.memref_slice %arg13[%dma_wait3A_103, %dma_wait3A_104] : memref<10000x144xbf16, #tpu.memory_space<vmem_shared>> -> memref<10000x144xbf16, #tpu.memory_space<vmem_shared>>
        tpu.wait_indirect_dma semaphore(%arg19 : memref<!tpu.dma_semaphore, #tpu.memory_space<semaphore_mem>>) src(%arg10 : memref<125x144xbf16, #tpu.memory_space<vmem>>) dst(%dma_wait3A_105 : memref<10000x144xbf16, #tpu.memory_space<vmem_shared>>)
      } else {
      }
      %lt3A_41 = arith.constant 80 : i32
      %lt3A_42 = arith.cmpi slt, %add3A_32, %lt3A_41 : i32
      %convert_element_type3A_43 = arith.extui %lt3A_42 : i1 to i32
      %cond3A_44 = arith.constant 0 : i32
      %cond3A_45 = arith.cmpi ne, %convert_element_type3A_43, %cond3A_44 : i32
      scf.if %cond3A_45 {
        %dma_start3A = arith.constant 0 : i32
        %dma_start3A_100 = tpu.memref_slice %arg7[%add3A_32, %dma_start3A] : memref<80x125xi32, #tpu.memory_space<vmem>> -> memref<1x125xi32, #tpu.memory_space<vmem>>
        %dma_start3A_101 = tpu.memref_squeeze %dma_start3A_100 : memref<1x125xi32, #tpu.memory_space<vmem>> -> memref<125xi32, #tpu.memory_space<vmem>>
        %dma_start3A_102 = arith.constant 0 : i32
        %dma_start3A_103 = arith.constant 0 : i32
        %dma_start3A_104 = tpu.memref_slice %arg2[%dma_start3A_102, %dma_start3A_103] : memref<10000x144xbf16, #tpu.memory_space<hbm>> -> memref<10000x144xbf16, #tpu.memory_space<hbm>>
        tpu.enqueue_indirect_dma source(%dma_start3A_104 : memref<10000x144xbf16, #tpu.memory_space<hbm>>) target(%arg10 : memref<125x144xbf16, #tpu.memory_space<vmem>>) offsets(%dma_start3A_101 : memref<125xi32, #tpu.memory_space<vmem>>) semaphore(%arg15 : memref<!tpu.dma_semaphore, #tpu.memory_space<semaphore_mem>>)
      } else {
      }
      %ge3A_46 = arith.constant 2 : i32
      %ge3A_47 = arith.cmpi sge, %add3A_32, %ge3A_46 : i32
      %lt3A_48 = arith.constant 82 : i32
      %lt3A_49 = arith.cmpi slt, %add3A_32, %lt3A_48 : i32
      %and3A_50 = arith.andi %ge3A_47, %lt3A_49 : i1
      %convert_element_type3A_51 = arith.extui %and3A_50 : i1 to i32
      %cond3A_52 = arith.constant 0 : i32
      %cond3A_53 = arith.cmpi ne, %convert_element_type3A_51, %cond3A_52 : i32
      scf.if %cond3A_53 {
        %sub3A = arith.constant 2 : i32
        %sub3A_100 = arith.subi %add3A_32, %sub3A : i32
        %dma_wait3A = arith.constant 0 : i32
        %dma_wait3A_101 = tpu.memref_slice %arg7[%sub3A_100, %dma_wait3A] : memref<80x125xi32, #tpu.memory_space<vmem>> -> memref<1x125xi32, #tpu.memory_space<vmem>>
        %dma_wait3A_102 = tpu.memref_squeeze %dma_wait3A_101 : memref<1x125xi32, #tpu.memory_space<vmem>> -> memref<125xi32, #tpu.memory_space<vmem>>
        %dma_wait3A_103 = arith.constant 0 : i32
        %dma_wait3A_104 = arith.constant 0 : i32
        %dma_wait3A_105 = tpu.memref_slice %arg2[%dma_wait3A_103, %dma_wait3A_104] : memref<10000x144xbf16, #tpu.memory_space<hbm>> -> memref<10000x144xbf16, #tpu.memory_space<hbm>>
        tpu.wait_indirect_dma semaphore(%arg17 : memref<!tpu.dma_semaphore, #tpu.memory_space<semaphore_mem>>) src(%dma_wait3A_105 : memref<10000x144xbf16, #tpu.memory_space<hbm>>) dst(%arg12 : memref<125x144xbf16, #tpu.memory_space<vmem>>)
        %sub3A_106 = arith.constant 2 : i32
        %sub3A_107 = arith.subi %add3A_32, %sub3A_106 : i32
        %dma_start3A = arith.constant 0 : i32
        %dma_start3A_108 = tpu.memref_slice %arg8[%sub3A_107, %dma_start3A] : memref<80x125xi32, #tpu.memory_space<vmem>> -> memref<1x125xi32, #tpu.memory_space<vmem>>
        %dma_start3A_109 = tpu.memref_squeeze %dma_start3A_108 : memref<1x125xi32, #tpu.memory_space<vmem>> -> memref<125xi32, #tpu.memory_space<vmem>>
        %dma_start3A_110 = arith.constant 0 : i32
        %dma_start3A_111 = arith.constant 0 : i32
        %dma_start3A_112 = tpu.memref_slice %arg13[%dma_start3A_110, %dma_start3A_111] : memref<10000x144xbf16, #tpu.memory_space<vmem_shared>> -> memref<10000x144xbf16, #tpu.memory_space<vmem_shared>>
        tpu.enqueue_indirect_dma source(%arg12 : memref<125x144xbf16, #tpu.memory_space<vmem>>) target(%dma_start3A_112 : memref<10000x144xbf16, #tpu.memory_space<vmem_shared>>) offsets(%dma_start3A_109 : memref<125xi32, #tpu.memory_space<vmem>>) semaphore(%arg21 : memref<!tpu.dma_semaphore, #tpu.memory_space<semaphore_mem>>) {add = true}
      } else {
      }
      %add3A_54 = arith.constant 2 : i32
      %add3A_55 = arith.addi %mul3A_12, %add3A_54 : i32
      %ge3A_56 = arith.constant 4 : i32
      %ge3A_57 = arith.cmpi sge, %add3A_55, %ge3A_56 : i32
      %lt3A_58 = arith.constant 84 : i32
      %lt3A_59 = arith.cmpi slt, %add3A_55, %lt3A_58 : i32
      %and3A_60 = arith.andi %ge3A_57, %lt3A_59 : i1
      %convert_element_type3A_61 = arith.extui %and3A_60 : i1 to i32
      %cond3A_62 = arith.constant 0 : i32
      %cond3A_63 = arith.cmpi ne, %convert_element_type3A_61, %cond3A_62 : i32
      scf.if %cond3A_63 {
        %sub3A = arith.constant 4 : i32
        %sub3A_100 = arith.subi %add3A_55, %sub3A : i32
        %dma_wait3A = arith.constant 0 : i32
        %dma_wait3A_101 = tpu.memref_slice %arg8[%sub3A_100, %dma_wait3A] : memref<80x125xi32, #tpu.memory_space<vmem>> -> memref<1x125xi32, #tpu.memory_space<vmem>>
        %dma_wait3A_102 = tpu.memref_squeeze %dma_wait3A_101 : memref<1x125xi32, #tpu.memory_space<vmem>> -> memref<125xi32, #tpu.memory_space<vmem>>
        %dma_wait3A_103 = arith.constant 0 : i32
        %dma_wait3A_104 = arith.constant 0 : i32
        %dma_wait3A_105 = tpu.memref_slice %arg13[%dma_wait3A_103, %dma_wait3A_104] : memref<10000x144xbf16, #tpu.memory_space<vmem_shared>> -> memref<10000x144xbf16, #tpu.memory_space<vmem_shared>>
        tpu.wait_indirect_dma semaphore(%arg20 : memref<!tpu.dma_semaphore, #tpu.memory_space<semaphore_mem>>) src(%arg11 : memref<125x144xbf16, #tpu.memory_space<vmem>>) dst(%dma_wait3A_105 : memref<10000x144xbf16, #tpu.memory_space<vmem_shared>>)
      } else {
      }
      %lt3A_64 = arith.constant 80 : i32
      %lt3A_65 = arith.cmpi slt, %add3A_55, %lt3A_64 : i32
      %convert_element_type3A_66 = arith.extui %lt3A_65 : i1 to i32
      %cond3A_67 = arith.constant 0 : i32
      %cond3A_68 = arith.cmpi ne, %convert_element_type3A_66, %cond3A_67 : i32
      scf.if %cond3A_68 {
        %dma_start3A = arith.constant 0 : i32
        %dma_start3A_100 = tpu.memref_slice %arg7[%add3A_55, %dma_start3A] : memref<80x125xi32, #tpu.memory_space<vmem>> -> memref<1x125xi32, #tpu.memory_space<vmem>>
        %dma_start3A_101 = tpu.memref_squeeze %dma_start3A_100 : memref<1x125xi32, #tpu.memory_space<vmem>> -> memref<125xi32, #tpu.memory_space<vmem>>
        %dma_start3A_102 = arith.constant 0 : i32
        %dma_start3A_103 = arith.constant 0 : i32
        %dma_start3A_104 = tpu.memref_slice %arg2[%dma_start3A_102, %dma_start3A_103] : memref<10000x144xbf16, #tpu.memory_space<hbm>> -> memref<10000x144xbf16, #tpu.memory_space<hbm>>
        tpu.enqueue_indirect_dma source(%dma_start3A_104 : memref<10000x144xbf16, #tpu.memory_space<hbm>>) target(%arg11 : memref<125x144xbf16, #tpu.memory_space<vmem>>) offsets(%dma_start3A_101 : memref<125xi32, #tpu.memory_space<vmem>>) semaphore(%arg16 : memref<!tpu.dma_semaphore, #tpu.memory_space<semaphore_mem>>)
      } else {
      }
      %ge3A_69 = arith.constant 2 : i32
      %ge3A_70 = arith.cmpi sge, %add3A_55, %ge3A_69 : i32
      %lt3A_71 = arith.constant 82 : i32
      %lt3A_72 = arith.cmpi slt, %add3A_55, %lt3A_71 : i32
      %and3A_73 = arith.andi %ge3A_70, %lt3A_72 : i1
      %convert_element_type3A_74 = arith.extui %and3A_73 : i1 to i32
      %cond3A_75 = arith.constant 0 : i32
      %cond3A_76 = arith.cmpi ne, %convert_element_type3A_74, %cond3A_75 : i32
      scf.if %cond3A_76 {
        %sub3A = arith.constant 2 : i32
        %sub3A_100 = arith.subi %add3A_55, %sub3A : i32
        %dma_wait3A = arith.constant 0 : i32
        %dma_wait3A_101 = tpu.memref_slice %arg7[%sub3A_100, %dma_wait3A] : memref<80x125xi32, #tpu.memory_space<vmem>> -> memref<1x125xi32, #tpu.memory_space<vmem>>
        %dma_wait3A_102 = tpu.memref_squeeze %dma_wait3A_101 : memref<1x125xi32, #tpu.memory_space<vmem>> -> memref<125xi32, #tpu.memory_space<vmem>>
        %dma_wait3A_103 = arith.constant 0 : i32
        %dma_wait3A_104 = arith.constant 0 : i32
        %dma_wait3A_105 = tpu.memref_slice %arg2[%dma_wait3A_103, %dma_wait3A_104] : memref<10000x144xbf16, #tpu.memory_space<hbm>> -> memref<10000x144xbf16, #tpu.memory_space<hbm>>
        tpu.wait_indirect_dma semaphore(%arg14 : memref<!tpu.dma_semaphore, #tpu.memory_space<semaphore_mem>>) src(%dma_wait3A_105 : memref<10000x144xbf16, #tpu.memory_space<hbm>>) dst(%arg9 : memref<125x144xbf16, #tpu.memory_space<vmem>>)
        %sub3A_106 = arith.constant 2 : i32
        %sub3A_107 = arith.subi %add3A_55, %sub3A_106 : i32
        %dma_start3A = arith.constant 0 : i32
        %dma_start3A_108 = tpu.memref_slice %arg8[%sub3A_107, %dma_start3A] : memref<80x125xi32, #tpu.memory_space<vmem>> -> memref<1x125xi32, #tpu.memory_space<vmem>>
        %dma_start3A_109 = tpu.memref_squeeze %dma_start3A_108 : memref<1x125xi32, #tpu.memory_space<vmem>> -> memref<125xi32, #tpu.memory_space<vmem>>
        %dma_start3A_110 = arith.constant 0 : i32
        %dma_start3A_111 = arith.constant 0 : i32
        %dma_start3A_112 = tpu.memref_slice %arg13[%dma_start3A_110, %dma_start3A_111] : memref<10000x144xbf16, #tpu.memory_space<vmem_shared>> -> memref<10000x144xbf16, #tpu.memory_space<vmem_shared>>
        tpu.enqueue_indirect_dma source(%arg9 : memref<125x144xbf16, #tpu.memory_space<vmem>>) target(%dma_start3A_112 : memref<10000x144xbf16, #tpu.memory_space<vmem_shared>>) offsets(%dma_start3A_109 : memref<125xi32, #tpu.memory_space<vmem>>) semaphore(%arg18 : memref<!tpu.dma_semaphore, #tpu.memory_space<semaphore_mem>>) {add = true}
      } else {
      }
      %add3A_77 = arith.constant 3 : i32
      %add3A_78 = arith.addi %mul3A_12, %add3A_77 : i32
      %ge3A_79 = arith.constant 4 : i32
      %ge3A_80 = arith.cmpi sge, %add3A_78, %ge3A_79 : i32
      %lt3A_81 = arith.constant 84 : i32
      %lt3A_82 = arith.cmpi slt, %add3A_78, %lt3A_81 : i32
      %and3A_83 = arith.andi %ge3A_80, %lt3A_82 : i1
      %convert_element_type3A_84 = arith.extui %and3A_83 : i1 to i32
      %cond3A_85 = arith.constant 0 : i32
      %cond3A_86 = arith.cmpi ne, %convert_element_type3A_84, %cond3A_85 : i32
      scf.if %cond3A_86 {
        %sub3A = arith.constant 4 : i32
        %sub3A_100 = arith.subi %add3A_78, %sub3A : i32
        %dma_wait3A = arith.constant 0 : i32
        %dma_wait3A_101 = tpu.memref_slice %arg8[%sub3A_100, %dma_wait3A] : memref<80x125xi32, #tpu.memory_space<vmem>> -> memref<1x125xi32, #tpu.memory_space<vmem>>
        %dma_wait3A_102 = tpu.memref_squeeze %dma_wait3A_101 : memref<1x125xi32, #tpu.memory_space<vmem>> -> memref<125xi32, #tpu.memory_space<vmem>>
        %dma_wait3A_103 = arith.constant 0 : i32
        %dma_wait3A_104 = arith.constant 0 : i32
        %dma_wait3A_105 = tpu.memref_slice %arg13[%dma_wait3A_103, %dma_wait3A_104] : memref<10000x144xbf16, #tpu.memory_space<vmem_shared>> -> memref<10000x144xbf16, #tpu.memory_space<vmem_shared>>
        tpu.wait_indirect_dma semaphore(%arg21 : memref<!tpu.dma_semaphore, #tpu.memory_space<semaphore_mem>>) src(%arg12 : memref<125x144xbf16, #tpu.memory_space<vmem>>) dst(%dma_wait3A_105 : memref<10000x144xbf16, #tpu.memory_space<vmem_shared>>)
      } else {
      }
      %lt3A_87 = arith.constant 80 : i32
      %lt3A_88 = arith.cmpi slt, %add3A_78, %lt3A_87 : i32
      %convert_element_type3A_89 = arith.extui %lt3A_88 : i1 to i32
      %cond3A_90 = arith.constant 0 : i32
      %cond3A_91 = arith.cmpi ne, %convert_element_type3A_89, %cond3A_90 : i32
      scf.if %cond3A_91 {
        %dma_start3A = arith.constant 0 : i32
        %dma_start3A_100 = tpu.memref_slice %arg7[%add3A_78, %dma_start3A] : memref<80x125xi32, #tpu.memory_space<vmem>> -> memref<1x125xi32, #tpu.memory_space<vmem>>
        %dma_start3A_101 = tpu.memref_squeeze %dma_start3A_100 : memref<1x125xi32, #tpu.memory_space<vmem>> -> memref<125xi32, #tpu.memory_space<vmem>>
        %dma_start3A_102 = arith.constant 0 : i32
        %dma_start3A_103 = arith.constant 0 : i32
        %dma_start3A_104 = tpu.memref_slice %arg2[%dma_start3A_102, %dma_start3A_103] : memref<10000x144xbf16, #tpu.memory_space<hbm>> -> memref<10000x144xbf16, #tpu.memory_space<hbm>>
        tpu.enqueue_indirect_dma source(%dma_start3A_104 : memref<10000x144xbf16, #tpu.memory_space<hbm>>) target(%arg12 : memref<125x144xbf16, #tpu.memory_space<vmem>>) offsets(%dma_start3A_101 : memref<125xi32, #tpu.memory_space<vmem>>) semaphore(%arg17 : memref<!tpu.dma_semaphore, #tpu.memory_space<semaphore_mem>>)
      } else {
      }
      %ge3A_92 = arith.constant 2 : i32
      %ge3A_93 = arith.cmpi sge, %add3A_78, %ge3A_92 : i32
      %lt3A_94 = arith.constant 82 : i32
      %lt3A_95 = arith.cmpi slt, %add3A_78, %lt3A_94 : i32
      %and3A_96 = arith.andi %ge3A_93, %lt3A_95 : i1
      %convert_element_type3A_97 = arith.extui %and3A_96 : i1 to i32
      %cond3A_98 = arith.constant 0 : i32
      %cond3A_99 = arith.cmpi ne, %convert_element_type3A_97, %cond3A_98 : i32
      scf.if %cond3A_99 {
        %sub3A = arith.constant 2 : i32
        %sub3A_100 = arith.subi %add3A_78, %sub3A : i32
        %dma_wait3A = arith.constant 0 : i32
        %dma_wait3A_101 = tpu.memref_slice %arg7[%sub3A_100, %dma_wait3A] : memref<80x125xi32, #tpu.memory_space<vmem>> -> memref<1x125xi32, #tpu.memory_space<vmem>>
        %dma_wait3A_102 = tpu.memref_squeeze %dma_wait3A_101 : memref<1x125xi32, #tpu.memory_space<vmem>> -> memref<125xi32, #tpu.memory_space<vmem>>
        %dma_wait3A_103 = arith.constant 0 : i32
        %dma_wait3A_104 = arith.constant 0 : i32
        %dma_wait3A_105 = tpu.memref_slice %arg2[%dma_wait3A_103, %dma_wait3A_104] : memref<10000x144xbf16, #tpu.memory_space<hbm>> -> memref<10000x144xbf16, #tpu.memory_space<hbm>>
        tpu.wait_indirect_dma semaphore(%arg15 : memref<!tpu.dma_semaphore, #tpu.memory_space<semaphore_mem>>) src(%dma_wait3A_105 : memref<10000x144xbf16, #tpu.memory_space<hbm>>) dst(%arg10 : memref<125x144xbf16, #tpu.memory_space<vmem>>)
        %sub3A_106 = arith.constant 2 : i32
        %sub3A_107 = arith.subi %add3A_78, %sub3A_106 : i32
        %dma_start3A = arith.constant 0 : i32
        %dma_start3A_108 = tpu.memref_slice %arg8[%sub3A_107, %dma_start3A] : memref<80x125xi32, #tpu.memory_space<vmem>> -> memref<1x125xi32, #tpu.memory_space<vmem>>
        %dma_start3A_109 = tpu.memref_squeeze %dma_start3A_108 : memref<1x125xi32, #tpu.memory_space<vmem>> -> memref<125xi32, #tpu.memory_space<vmem>>
        %dma_start3A_110 = arith.constant 0 : i32
        %dma_start3A_111 = arith.constant 0 : i32
        %dma_start3A_112 = tpu.memref_slice %arg13[%dma_start3A_110, %dma_start3A_111] : memref<10000x144xbf16, #tpu.memory_space<vmem_shared>> -> memref<10000x144xbf16, #tpu.memory_space<vmem_shared>>
        tpu.enqueue_indirect_dma source(%arg10 : memref<125x144xbf16, #tpu.memory_space<vmem>>) target(%dma_start3A_112 : memref<10000x144xbf16, #tpu.memory_space<vmem_shared>>) offsets(%dma_start3A_109 : memref<125xi32, #tpu.memory_space<vmem>>) semaphore(%arg19 : memref<!tpu.dma_semaphore, #tpu.memory_space<semaphore_mem>>) {add = true}
      } else {
      }
    }
    %scan3A_8 = arith.constant 22 : i32
    %barrier3A_9 = arith.constant 0 : index
    tpu.barrier barrier_id(%barrier3A_9)
    "tpu.region"() ({
      %run_scoped3A_10 = tpu.sem_alloc : memref<!tpu.dma_semaphore, #tpu.memory_space<semaphore_mem>>
      %dma_start3A = arith.constant 0 : i32
      %dma_start3A_11 = tpu.memref_slice %arg5[%arg0, %mul3A_2, %dma_start3A] : memref<2x10000x128xbf16, #tpu.memory_space<hbm>> -> memref<1x625x128xbf16, #tpu.memory_space<hbm>>
      %dma_start3A_12 = tpu.memref_squeeze %dma_start3A_11 : memref<1x625x128xbf16, #tpu.memory_space<hbm>> -> memref<625x128xbf16, #tpu.memory_space<hbm>>
      %dma_start3A_13 = arith.constant 0 : i32
      %dma_start3A_14 = tpu.memref_slice %arg13[%mul3A_2, %dma_start3A_13] : memref<10000x144xbf16, #tpu.memory_space<vmem_shared>> -> memref<625x128xbf16, #tpu.memory_space<vmem_shared>>
      tpu.enqueue_dma source(%dma_start3A_14 : memref<625x128xbf16, #tpu.memory_space<vmem_shared>>) target(%dma_start3A_12 : memref<625x128xbf16, #tpu.memory_space<hbm>>) target_semaphore(%run_scoped3A_10 : memref<!tpu.dma_semaphore, #tpu.memory_space<semaphore_mem>>)
      %dma_wait3A = arith.constant 0 : i32
      %dma_wait3A_15 = tpu.memref_slice %arg5[%arg0, %mul3A_2, %dma_wait3A] : memref<2x10000x128xbf16, #tpu.memory_space<hbm>> -> memref<1x625x128xbf16, #tpu.memory_space<hbm>>
      %dma_wait3A_16 = tpu.memref_squeeze %dma_wait3A_15 : memref<1x625x128xbf16, #tpu.memory_space<hbm>> -> memref<625x128xbf16, #tpu.memory_space<hbm>>
      %dma_wait3A_17 = arith.constant 0 : i32
      %dma_wait3A_18 = tpu.memref_slice %arg13[%mul3A_2, %dma_wait3A_17] : memref<10000x144xbf16, #tpu.memory_space<vmem_shared>> -> memref<625x128xbf16, #tpu.memory_space<vmem_shared>>
      tpu.wait_dma2 semaphore(%run_scoped3A_10 : memref<!tpu.dma_semaphore, #tpu.memory_space<semaphore_mem>>) src(%dma_wait3A_18 : memref<625x128xbf16, #tpu.memory_space<vmem_shared>>) dst(%dma_wait3A_16 : memref<625x128xbf16, #tpu.memory_space<hbm>>)
      tpu.yield
    }) : () -> ()
    "tpu.region"() ({
      %run_scoped3A_10 = tpu.sem_alloc : memref<!tpu.dma_semaphore, #tpu.memory_space<semaphore_mem>>
      %dma_start3A = arith.constant 0 : i32
      %dma_start3A_11 = tpu.memref_slice %arg6[%arg0, %mul3A_2, %dma_start3A] : memref<2x10000x16xbf16, #tpu.memory_space<hbm>> -> memref<1x625x16xbf16, #tpu.memory_space<hbm>>
      %dma_start3A_12 = tpu.memref_squeeze %dma_start3A_11 : memref<1x625x16xbf16, #tpu.memory_space<hbm>> -> memref<625x16xbf16, #tpu.memory_space<hbm>>
      %dma_start3A_13 = arith.constant 128 : i32
      %dma_start3A_14 = tpu.memref_slice %arg13[%mul3A_2, %dma_start3A_13] : memref<10000x144xbf16, #tpu.memory_space<vmem_shared>> -> memref<625x16xbf16, #tpu.memory_space<vmem_shared>>
      tpu.enqueue_dma source(%dma_start3A_14 : memref<625x16xbf16, #tpu.memory_space<vmem_shared>>) target(%dma_start3A_12 : memref<625x16xbf16, #tpu.memory_space<hbm>>) target_semaphore(%run_scoped3A_10 : memref<!tpu.dma_semaphore, #tpu.memory_space<semaphore_mem>>)
      %dma_wait3A = arith.constant 0 : i32
      %dma_wait3A_15 = tpu.memref_slice %arg6[%arg0, %mul3A_2, %dma_wait3A] : memref<2x10000x16xbf16, #tpu.memory_space<hbm>> -> memref<1x625x16xbf16, #tpu.memory_space<hbm>>
      %dma_wait3A_16 = tpu.memref_squeeze %dma_wait3A_15 : memref<1x625x16xbf16, #tpu.memory_space<hbm>> -> memref<625x16xbf16, #tpu.memory_space<hbm>>
      %dma_wait3A_17 = arith.constant 128 : i32
      %dma_wait3A_18 = tpu.memref_slice %arg13[%mul3A_2, %dma_wait3A_17] : memref<10000x144xbf16, #tpu.memory_space<vmem_shared>> -> memref<625x16xbf16, #tpu.memory_space<vmem_shared>>
      tpu.wait_dma2 semaphore(%run_scoped3A_10 : memref<!tpu.dma_semaphore, #tpu.memory_space<semaphore_mem>>) src(%dma_wait3A_18 : memref<625x16xbf16, #tpu.memory_space<vmem_shared>>) dst(%dma_wait3A_16 : memref<625x16xbf16, #tpu.memory_space<hbm>>)
      tpu.yield
    }) : () -> ()
    return
  }
}

module attributes {stable_mosaic.version = 14 : i64} {
  func.func @_hext_body(%arg0: i32, %arg1: memref<1000x128xf32, #tpu.memory_space<vmem>>, %arg2: memref<1000x144xbf16, #tpu.memory_space<vmem>>) attributes {dimension_semantics = [#tpu.dimension_semantics<arbitrary>], iteration_bounds = array<i64: 10>, scalar_prefetch = 0 : i64, scratch_operands = 0 : i64, tpu.core_type = #tpu.core_type<tc>, window_params = [{transform_indices = @transform_0, window_bounds = array<i64: 1000, 128>}, {transform_indices = @transform_1, window_bounds = array<i64: 1000, 144>}]} {
    %get3A = arith.constant 0 : index
    %get3A_0 = arith.constant 0 : index
    %get3A_1 = vector.load %arg1[%get3A, %get3A_0] : memref<1000x128xf32, #tpu.memory_space<vmem>>, vector<1000x128xf32>
    %convert_element_type3A = arith.truncf %get3A_1 : vector<1000x128xf32> to vector<1000x128xbf16>
    %broadcast_in_dim3A = arith.constant 1.000000e+00 : bf16
    %broadcast_in_dim3A_2 = vector.broadcast %broadcast_in_dim3A : bf16 to vector<1000x1xbf16>
    %broadcast_in_dim3A_3 = arith.constant 0.000000e+00 : bf16
    %broadcast_in_dim3A_4 = vector.broadcast %broadcast_in_dim3A_3 : bf16 to vector<1000x15xbf16>
    %concatenate3A = tpu.concatenate %broadcast_in_dim3A_2, %broadcast_in_dim3A_4 in 1 : vector<1000x1xbf16>, vector<1000x15xbf16> -> vector<1000x16xbf16>
    %concatenate3A_5 = tpu.concatenate %convert_element_type3A, %concatenate3A in 1 : vector<1000x128xbf16>, vector<1000x16xbf16> -> vector<1000x144xbf16>
    %swap3A = arith.constant 0 : index
    %swap3A_6 = arith.constant 0 : index
    %swap3A_7 = vector.load %arg2[%swap3A, %swap3A_6] : memref<1000x144xbf16, #tpu.memory_space<vmem>>, vector<1000x144xbf16>
    tpu.vector_store %arg2[%swap3A, %swap3A_6], %concatenate3A_5 {strides = array<i32>} : memref<1000x144xbf16, #tpu.memory_space<vmem>>, vector<1000x144xbf16>,
    return
  }
  func.func @transform_0(%arg0: i32) -> (i32, i32) {
    %c0_i32 = arith.constant 0 : i32
    %c0_i32_0 = arith.constant 0 : i32
    return %arg0, %c0_i32 : i32, i32
  }
  func.func @transform_1(%arg0: i32) -> (i32, i32) {
    %c0_i32 = arith.constant 0 : i32
    %c0_i32_0 = arith.constant 0 : i32
    return %arg0, %c0_i32 : i32, i32
  }
}

module attributes {stable_mosaic.version = 14 : i64} {
  func.func @_tc_body(%arg0: i32, %arg1: memref<1000x128xf32, #tpu.memory_space<vmem>>, %arg2: memref<2x1000x128xbf16, #tpu.memory_space<vmem>>, %arg3: memref<2x1000x16xbf16, #tpu.memory_space<vmem>>, %arg4: memref<128x256xf32, #tpu.memory_space<vmem>>, %arg5: memref<1x128xf32, #tpu.memory_space<vmem>>, %arg6: memref<1000x128xf32, #tpu.memory_space<vmem>>) attributes {dimension_semantics = [#tpu.dimension_semantics<arbitrary>], iteration_bounds = array<i64: 10>, scalar_prefetch = 0 : i64, scratch_operands = 0 : i64, tpu.core_type = #tpu.core_type<tc>, window_params = [{transform_indices = @transform_0, window_bounds = array<i64: 1000, 128>}, {transform_indices = @transform_1, window_bounds = array<i64: 2, 1000, 128>}, {transform_indices = @transform_2, window_bounds = array<i64: 2, 1000, 16>}, {pipeline_mode = #tpu.pipeline_mode<synchronous>, transform_indices = @transform_3, window_bounds = array<i64: 128, 256>}, {pipeline_mode = #tpu.pipeline_mode<synchronous>, transform_indices = @transform_4, window_bounds = array<i64: 1, 128>}, {transform_indices = @transform_5, window_bounds = array<i64: 1000, 128>}]} {
    %get3A = arith.constant 0 : index
    %get3A_0 = arith.constant 0 : index
    %get3A_1 = arith.constant 0 : index
    %get3A_2 = vector.load %arg2[%get3A, %get3A_0, %get3A_1] : memref<2x1000x128xbf16, #tpu.memory_space<vmem>>, vector<1x1000x128xbf16>
    %get3A_3 = vector.shape_cast %get3A_2 : vector<1x1000x128xbf16> to vector<1000x128xbf16>
    %convert_element_type3A = arith.extf %get3A_3 : vector<1000x128xbf16> to vector<1000x128xf32>
    %get3A_4 = arith.constant 1 : index
    %get3A_5 = arith.constant 0 : index
    %get3A_6 = arith.constant 0 : index
    %get3A_7 = vector.load %arg2[%get3A_4, %get3A_5, %get3A_6] : memref<2x1000x128xbf16, #tpu.memory_space<vmem>>, vector<1x1000x128xbf16>
    %get3A_8 = vector.shape_cast %get3A_7 : vector<1x1000x128xbf16> to vector<1000x128xbf16>
    %convert_element_type3A_9 = arith.extf %get3A_8 : vector<1000x128xbf16> to vector<1000x128xf32>
    %add3A = arith.addf %convert_element_type3A, %convert_element_type3A_9 : vector<1000x128xf32>
    %get3A_10 = arith.constant 0 : index
    %get3A_11 = arith.constant 0 : index
    %get3A_12 = arith.constant 0 : index
    %get3A_13 = vector.load %arg3[%get3A_10, %get3A_11, %get3A_12] : memref<2x1000x16xbf16, #tpu.memory_space<vmem>>, vector<1x1000x16xbf16>
    %get3A_14 = vector.shape_cast %get3A_13 : vector<1x1000x16xbf16> to vector<1000x16xbf16>
    %convert_element_type3A_15 = arith.extf %get3A_14 : vector<1000x16xbf16> to vector<1000x16xf32>
    %get3A_16 = arith.constant 1 : index
    %get3A_17 = arith.constant 0 : index
    %get3A_18 = arith.constant 0 : index
    %get3A_19 = vector.load %arg3[%get3A_16, %get3A_17, %get3A_18] : memref<2x1000x16xbf16, #tpu.memory_space<vmem>>, vector<1x1000x16xbf16>
    %get3A_20 = vector.shape_cast %get3A_19 : vector<1x1000x16xbf16> to vector<1000x16xbf16>
    %convert_element_type3A_21 = arith.extf %get3A_20 : vector<1000x16xbf16> to vector<1000x16xf32>
    %slice3A = vector.extract_strided_slice %convert_element_type3A_15 {offsets = [0, 0], sizes = [1000, 1], strides = [1, 1]} : vector<1000x16xf32> to vector<1000x1xf32>
    %slice3A_22 = vector.extract_strided_slice %convert_element_type3A_21 {offsets = [0, 0], sizes = [1000, 1], strides = [1, 1]} : vector<1000x16xf32> to vector<1000x1xf32>
    %add3A_23 = arith.addf %slice3A, %slice3A_22 : vector<1000x1xf32>
    %max3A = arith.constant 1.000000e+00 : f32
    %max3A_24 = vector.broadcast %max3A : f32 to vector<1000x1xf32>
    %max3A_25 = arith.maximumf %add3A_23, %max3A_24 : vector<1000x1xf32>
    %div3A = vector.broadcast %max3A_25 : vector<1000x1xf32> to vector<1000x128xf32>
    %div3A_26 = arith.divf %add3A, %div3A : vector<1000x128xf32>
    %get3A_27 = arith.constant 0 : index
    %get3A_28 = arith.constant 0 : index
    %get3A_29 = vector.load %arg1[%get3A_27, %get3A_28] : memref<1000x128xf32, #tpu.memory_space<vmem>>, vector<1000x128xf32>
    %get3A_30 = arith.constant 0 : index
    %get3A_31 = arith.constant 0 : index
    %get3A_32 = vector.load %arg4[%get3A_30, %get3A_31] : memref<128x256xf32, #tpu.memory_space<vmem>>, vector<128x128xf32>
    %dot_general3A = arith.constant dense<0.000000e+00> : vector<1000x128xf32>
    %dot_general3A_33 = tpu.matmul %get3A_29, %get3A_32, %dot_general3A {dimension_numbers = #tpu.dot_dimension_numbers<[1], [1], [0], [0], [0, 0, 1, 0], [], []>, transpose_lhs_hint = false} : vector<1000x128xf32>, vector<128x128xf32>, vector<1000x128xf32> -> vector<1000x128xf32>
    %get3A_34 = arith.constant 0 : index
    %get3A_35 = arith.constant 128 : index
    %get3A_36 = vector.load %arg4[%get3A_34, %get3A_35] : memref<128x256xf32, #tpu.memory_space<vmem>>, vector<128x128xf32>
    %dot_general3A_37 = arith.constant dense<0.000000e+00> : vector<1000x128xf32>
    %dot_general3A_38 = tpu.matmul %div3A_26, %get3A_36, %dot_general3A_37 {dimension_numbers = #tpu.dot_dimension_numbers<[1], [1], [0], [0], [0, 0, 1, 0], [], []>, transpose_lhs_hint = false} : vector<1000x128xf32>, vector<128x128xf32>, vector<1000x128xf32> -> vector<1000x128xf32>
    %add3A_39 = arith.addf %dot_general3A_33, %dot_general3A_38 : vector<1000x128xf32>
    %get3A_40 = arith.constant 0 : index
    %get3A_41 = arith.constant 0 : index
    %get3A_42 = vector.load %arg5[%get3A_40, %get3A_41] : memref<1x128xf32, #tpu.memory_space<vmem>>, vector<1x128xf32>
    %add3A_43 = vector.broadcast %get3A_42 : vector<1x128xf32> to vector<1000x128xf32>
    %add3A_44 = arith.addf %add3A_39, %add3A_43 : vector<1000x128xf32>
    %max3A_45 = arith.constant 0.000000e+00 : f32
    %max3A_46 = vector.broadcast %max3A_45 : f32 to vector<1000x128xf32>
    %max3A_47 = arith.maximumf %add3A_44, %max3A_46 : vector<1000x128xf32>
    %swap3A = arith.constant 0 : index
    %swap3A_48 = arith.constant 0 : index
    %swap3A_49 = vector.load %arg6[%swap3A, %swap3A_48] : memref<1000x128xf32, #tpu.memory_space<vmem>>, vector<1000x128xf32>
    tpu.vector_store %arg6[%swap3A, %swap3A_48], %max3A_47 {strides = array<i32>} : memref<1000x128xf32, #tpu.memory_space<vmem>>, vector<1000x128xf32>,
    return
  }
  func.func @transform_0(%arg0: i32) -> (i32, i32) {
    %c0_i32 = arith.constant 0 : i32
    %c0_i32_0 = arith.constant 0 : i32
    return %arg0, %c0_i32 : i32, i32
  }
  func.func @transform_1(%arg0: i32) -> (i32, i32, i32) {
    %c0_i32 = arith.constant 0 : i32
    %c0_i32_0 = arith.constant 0 : i32
    %c0_i32_1 = arith.constant 0 : i32
    return %c0_i32, %arg0, %c0_i32_0 : i32, i32, i32
  }
  func.func @transform_2(%arg0: i32) -> (i32, i32, i32) {
    %c0_i32 = arith.constant 0 : i32
    %c0_i32_0 = arith.constant 0 : i32
    %c0_i32_1 = arith.constant 0 : i32
    return %c0_i32, %arg0, %c0_i32_0 : i32, i32, i32
  }
  func.func @transform_3(%arg0: i32) -> (i32, i32) {
    %c0_i32 = arith.constant 0 : i32
    %c0_i32_0 = arith.constant 0 : i32
    %c0_i32_1 = arith.constant 0 : i32
    return %c0_i32, %c0_i32_0 : i32, i32
  }
  func.func @transform_4(%arg0: i32) -> (i32, i32) {
    %c0_i32 = arith.constant 0 : i32
    %c0_i32_0 = arith.constant 0 : i32
    %c0_i32_1 = arith.constant 0 : i32
    return %c0_i32, %c0_i32_0 : i32, i32
  }
  func.func @transform_5(%arg0: i32) -> (i32, i32) {
    %c0_i32 = arith.constant 0 : i32
    %c0_i32_0 = arith.constant 0 : i32
    return %arg0, %c0_i32 : i32, i32
  }
}

</mosaic_0001>

<sc_bundles>
// kernel: kernel.5.cloned.1.call-start
scs
__scs_entry_jumppad:
0x0: {  	(pc) =	sbr.rel $0x88, $3  }
0x1: {  	(tag) =	ssettag $0x0;
	lr =	simm.s32 $0x1  }
0x2: {  	[smem:$0x3F9D] =	sst lr;
	_ =	strace $0xD0000000  }
0x3: {  	_ = 	snop  }
0x4: {  	_ = 	snop  }
0x5: {  	_ = 	snop  }
0x6: {  	_ = 	snop  }
0x7: {  	_ = 	snop  }
__scs_overlays_trampoline_lowered:
0x8: {  	[smem:$0x3FAC] =	sst s0  }
0x9: {  	[smem:$0x3FAD] =	sst s1  }
0xa: {  	[smem:$0x3FAE] =	sst s2  }
0xb: {  	[smem:$0x3FAF] =	sst s3  }
0xc: {  	[smem:$0x3FB0] =	sst s4  }
0xd: {  	[smem:$0x3FB1] =	sst s5  }
0xe: {  	[smem:$0x3FB2] =	sst s6  }
0xf: {  	[smem:$0x3FB3] =	sst s7  }
0x10: {  	[smem:$0x3FB4] =	sst s8  }
0x11: {  	[smem:$0x3FB5] =	sst s9;
	s0 =	simm.s32 @!p0 $0x0  }
0x12: {  	s1 =	sld [smem:$0x3F9B];
	s0 =	simm.s32 @p0 $0x1  }
0x13: {  	[smem:$0x3FB6] =	sst s0;
	s0 =	simm.s32 @!p1 $0x0  }
0x14: {  	s2 =	sld [smem:$0x3F9A];
	s0 =	simm.s32 @p1 $0x1  }
0x15: {  	[smem:$0x3FB7] =	sst s0;
	s0 =	simm.s32 @!p2 $0x0  }
0x16: {  	s3 =	sld [smem:$0x3FDB];
	s0 =	simm.s32 @p2 $0x1  }
0x17: {  	s4 =	simm.s32 $0x1BF5;
	[smem:$0x3FB9] =	sst s0  }
0x18: {  	s0 =	sld [smem:$0x3F9C];
	_ =	swait.ge [sflag:s4], $0x0  }
0x19: {  	s7 =	sld [smem:$0x3F9D]  }
0x1a: {  	s8 =	sadd.s32 $0xFFFFE003, lr  }
0x1b: {  	s9 =	sadd.s32 $0xFFFFFEF7, lr;
	s5 =	simm.s32 $0xFFFFFFFF;
	p2 =	slt.u32 s8, $0xFFFFF086  }
0x1c: {  	p1 =	slt.u32 s9, $0xF7A;
	s5 =	simm.s32 @!p2 $0x0  }
0x1d: {  	s5 =	simm.s32 @p1 $0x1;
	p0 =	seq.s32 s7, s2  }
0x1e: {  	s7 =	smul.u32 @!p0 $0xF7A, s2;
	p2 =	seq.s32 @!p0 s5, $0x0  }
0x1f: {  	s9 =	smul.u32 $0xF7A, s1;
	s8 =	simm.s32 @!p0 $0x1BF5;
	p2 =	por !p2, p0  }
0x20: {  	[sflag:s8] =	ssyncset.s32 @!p0 $0xFFFFF086;
	s6 =	sadd.s32 @!p0 s3, s7;
	s7 =	simm.s32 @!p0 $0x108  }
0x21: {  	s3 =	sadd.s32 s3, s9;
	s6 =	sadd.s32 @!p0 $0x88, s6;
	s7 =	simm.s32 @p2 $0x1082  }
0x22: {  	[simem:s7], [sflag:s8] =	dma.local @!p0 [hbm:s6], $0xF7A  }
0x23: {  	s9 =	sor.u32 $0xD0000000, s2;
	s6 =	simm.s32 $0x108;
	_ =	swait.ge @!p0 [sflag:s8], $0x0  }
0x24: {  	s3 =	sadd.s32 $0x88, s3;
	s6 =	simm.s32 @!p1 $0x1082;
	[sflag:s4] =	ssyncset.s32 $0xFFFFF086  }
0x25: {  	[simem:s6], [sflag:s4] =	dma.local [hbm:s3], $0xF7A  }
0x26: {  	[smem:$0x3F9D] =	sst s1;
	(tag) =	ssettag s2;
	_ =	strace s9  }
0x27: {  	s1 =	sld [smem:$0x3FAD]  }
0x28: {  	s2 =	sld [smem:$0x3FAE]  }
0x29: {  	s4 =	sld [smem:$0x3FB0]  }
0x2a: {  	p0 =	seq.s32 s5, $0x0;
	s5 =	sld [smem:$0x3FB1]  }
0x2b: {  	s6 =	sld [smem:$0x3FB2]  }
0x2c: {  	s7 =	sld [smem:$0x3FB3]  }
0x2d: {  	s3 =	simm.s32 $0x108;
	s8 =	sld [smem:$0x3FB4]  }
0x2e: {  	s3 =	simm.s32 @!p0 $0x1082;
	s9 =	sld [smem:$0x3FB5]  }
0x2f: {  	lr =	sadd.s32 s0, s3;
	s0 =	sld [smem:$0x3FAC]  }
0x30: {  	s3 =	sld [smem:$0x3FAF]  }
0x31: {  	[smem:$0x3FB8] =	sst s10  }
0x32: {  	s10 =	sld [smem:$0x3FB6];
	_ =	sdelay $0x3  }
0x33: {  	p0 =	seq.s32 s10, $0x1;
	s10 =	sld [smem:$0x3FB8];
	_ =	sdelay $0x3  }
0x34: {  	[smem:$0x3FB8] =	sst s10  }
0x35: {  	s10 =	sld [smem:$0x3FB7];
	_ =	sdelay $0x3  }
0x36: {  	p1 =	seq.s32 s10, $0x1;
	s10 =	sld [smem:$0x3FB8];
	_ =	sdelay $0x3  }
0x37: {  	[smem:$0x3FB8] =	sst s10  }
0x38: {  	s10 =	sld [smem:$0x3FB9]  }
0x39: {  	_ = 	snop;
	(pc) =	sbr.ind lr, $3  }
0x3a: {  	_ = 	snop  }
0x3b: {  	_ = 	snop  }
0x3c: {  	p2 =	seq.s32 s10, $0x1;
	s10 =	sld [smem:$0x3FB8]  }
0x3d: {  	_ =	shalt  }
0x3e: {  	_ =	shalt  }
0x3f: {  	_ =	shalt  }
0x40: {  	_ =	shalt  }
0x41: {  	_ =	shalt  }
0x42: {  	_ =	shalt  }
0x43: {  	_ =	shalt  }
0x44: {  	_ =	shalt  }
0x45: {  	_ =	shalt  }
0x46: {  	_ =	shalt  }
0x47: {  	_ =	shalt  }
0x48: {  	_ =	shalt  }
0x49: {  	_ =	shalt  }
0x4a: {  	_ =	shalt  }
0x4b: {  	_ =	shalt  }
0x4c: {  	_ =	shalt  }
0x4d: {  	_ =	shalt  }
0x4e: {  	_ =	shalt  }
0x4f: {  	_ =	shalt  }
0x50: {  	_ =	shalt  }
0x51: {  	_ =	shalt  }
0x52: {  	_ =	shalt  }
0x53: {  	_ =	shalt  }
0x54: {  	_ =	shalt  }
0x55: {  	_ =	shalt  }
0x56: {  	_ =	shalt  }
0x57: {  	_ =	shalt  }
0x58: {  	_ =	shalt  }
0x59: {  	_ =	shalt  }
0x5a: {  	_ =	shalt  }
0x5b: {  	_ =	shalt  }
0x5c: {  	_ =	shalt  }
0x5d: {  	_ =	shalt  }
0x5e: {  	_ =	shalt  }
0x5f: {  	_ =	shalt  }
0x60: {  	_ =	shalt  }
0x61: {  	_ =	shalt  }
0x62: {  	_ =	shalt  }
0x63: {  	_ =	shalt  }
0x64: {  	_ =	shalt  }
0x65: {  	_ =	shalt  }
0x66: {  	_ =	shalt  }
0x67: {  	_ =	shalt  }
0x68: {  	_ =	shalt  }
0x69: {  	_ =	shalt  }
0x6a: {  	_ =	shalt  }
0x6b: {  	_ =	shalt  }
0x6c: {  	_ =	shalt  }
0x6d: {  	_ =	shalt  }
0x6e: {  	_ =	shalt  }
0x6f: {  	_ =	shalt  }
0x70: {  	_ =	shalt  }
0x71: {  	_ =	shalt  }
0x72: {  	_ =	shalt  }
0x73: {  	_ =	shalt  }
0x74: {  	_ =	shalt  }
0x75: {  	_ =	shalt  }
0x76: {  	_ =	shalt  }
0x77: {  	_ =	shalt  }
0x78: {  	_ =	shalt  }
0x79: {  	_ =	shalt  }
0x7a: {  	_ =	shalt  }
0x7b: {  	_ =	shalt  }
0x7c: {  	_ =	shalt  }
0x7d: {  	_ =	shalt  }
0x7e: {  	_ =	shalt  }
0x7f: {  	_ =	shalt  }
0x80: {  	_ =	shalt  }
0x81: {  	_ =	shalt  }
0x82: {  	_ =	shalt  }
0x83: {  	_ =	shalt  }
0x84: {  	_ =	shalt  }
0x85: {  	_ =	shalt  }
0x86: {  	_ =	shalt  }
0x87: {  	_ =	shalt  }
.Lfunc_end0:
.L_simem_size_0:
called_computation_lowered:
.L_overlay_start_0:
0x88: {  	s2 =	sld [smem:$0x3FD9]  }
0x89: {  	s3 =	sld [smem:$0x3FFE];
	_ =	sdelay $0x1  }
0x8a: {  	s1 =	srdreg.scid  }
0x8b: {  	s0 =	sand.u32 $0x1, s1  }
0x8c: {  	s17 =	sshll.u32 s0, $0xA;
	s2 =	sadd.s32 s3, s2  }
0x8d: {  	s2 =	sadd.s32 s2, s17  }
0x8e: {  	[smem:$0x3FC4] =	sst s2  }
0x8f: {  	_ = 	snop  }
0x90: {  	s2 =	sld [smem:$0x3FD0];
	(tm) =	ssettm $0x1  }
0x91: {  	s18 =	sld [smem:$0x3FFB];
	_ =	sdelay $0x3  }
0x92: {  	_ =	strace s18  }
0x93: {  	s3 =	sld [smem:$0x3FFC];
	_ =	sdelay $0x3  }
0x94: {  	_ =	strace s3  }
0x95: {  	s3 =	sld [smem:$0x3FFD];
	_ =	sdelay $0x3  }
0x96: {  	_ =	strace s3  }
0x97: {  	_ =	strace $0x8FFFFFFF  }
0x98: {  	s19 =	sld [smem:$0x3FDB];
	_ =	sdelay $0x1  }
0x99: {  	s4 =	simm.s32 $_scs_section_size  }
0x9a: {  	s5 =	simm.s32 $_size__tile_overlayer_lowered;
	s6 =	simm.s32 $_tile_overlayer_lowered  }
0x9b: {  	s22 =	simm.s32 $0x1BFF;
	s21 =	sshll.u32 s6, $0x1;
	s3 =	sadd.s32 s4, s19  }
0x9c: {  	s7 =	simm.s32 $0x0;
	s20 =	sshll.u32 s5, $0x1;
	s5 =	sadd.s32 s21, s3  }
0x9d: {  	[timem:s7], [sflag:s22] =	dma.local [hbm:s5], s20  }
0x9e: {  	_ =	swait.ge [sflag:s22], s20  }
0x9f: {  	s4 =	ssub.s32 $0x0, s20;
	[sflag:s22] =	ssyncset.done $0x0  }
0xa0: {  	[sflag:s22] =	ssyncadd.s32 s4;
	_ =	sdelay $0x1  }
0xa1: {  	s23 =	simm.s32 $0x1B8B  }
0xa2: {  	_ =	swait.ge [sflag:s23], $0x1  }
0xa3: {  	[sflag:s23] =	ssyncset.done $0x0  }
0xa4: {  	s25 =	simm.s32 $0x1B8E;
	s24 =	sld [smem:$0x3FFE];
	[sflag:s23] =	ssyncadd.s32 $0xFFFFFFFF  }
0xa5: {  	s26 =	simm.s32 $execute0_lowered;
	[smem:$0x3FD2] =	sst s25  }
0xa6: {  	s5 =	sshll.u32 s26, $0x1;
	_ =	strace $0x80000046;
	[dreg:$0x1] =	wrdreg $0xFFFFFFFF  }
0xa7: {  	s28 =	simm.s32 $_size_execute0_lowered;
	s3 =	sadd.s32 s3, s5;
	[dreg:$0x0] =	wrdreg $0x0  }
0xa8: {  	s5 =	sshll.u32 s28, $0x1;
	[dreg:$0x2] =	wrdreg s3  }
0xa9: {  	[dreg:$0x3] =	wrdreg s5  }
0xaa: {  	[dreg:$0x4] =	wrdreg $0xC0  }
0xab: {  	_ =	task [dreg:s7], $0x5FFFF  }
0xac: {  	[dreg:$0x1] =	wrdreg $0xFFFFFFFF  }
0xad: {  	[dreg:$0x0] =	wrdreg $0x60  }
0xae: {  	[dreg:$0x2] =	wrdreg s24  }
0xaf: {  	[dreg:$0x3] =	wrdreg s2  }
0xb0: {  	[dreg:$0x4] =	wrdreg $0xDCA00  }
0xb1: {  	[dreg:$0x5] =	wrdreg $0x9  }
0xb2: {  	_ =	task.clear_ibuf [dreg:s7], $0x6FFFF;
	_ =	strace $0x90000046  }
0xb3: {  	s29 =	simm.s32 $0x9;
	_ =	strace $0x80000048  }
0xb4: {  	_ =	swait.ge [sflag:s29], $0x1  }
0xb5: {  	[sflag:s29] =	ssyncadd.s32 $0xFFFFFFFF  }
0xb6: {  	_ =	strace $0x90000048  }
0xb7: {  	_ =	sfence  }
0xb8: {  	s30 =	sld [smem:$0x0];
	_ =	sdelay $0x2  }
0xb9: {  	s31 =	sshll.u32 s1, $0xD;
	s1 =	sshrl.u32 s1, $0x2  }
0xba: {  	s3 =	sand.u32 $0x4000, s31;
	s1 =	sadd.s32 s1, s30  }
0xbb: {  	s0 =	sor.u32 s3, s0;
	s1 =	sshll.u32 s1, $0x11  }
0xbc: {  	s0 =	sor.u32 s1, s0  }
0xbd: {  	s0 =	sadd.s32 $0x8F2B, s0  }
0xbe: {  	[sflag:s0] =	ssyncadd.remote.s32 $0x1  }
0xbf: {  	_ =	sfence.sel $0xFFFF  }
0xc0: {  	[dreg:$0x0] =	wrdreg $0xFFFFFFFF;
	(pc) =	sbr.abs _section_cstart, $3  }
0xc1: {  	[dreg:$0x1] =	wrdreg $0xFFFFFFFF  }
0xc2: {  	_ =	task.clear_ibuf [dreg:s7], $0x2FFFF;
	_ =	strace $0x9FFFFFFF  }
0xc3: {  	(tm) =	ssettm $0x7FFFFFFF  }
tec
execute0_lowered:
.L_overlay_start_1:
0x0: {  	(tag) =	ssettag $0x1  }
0x1: {  	s6 =	rddreg [dreg:$0x0]  }
0x2: {  	s9 =	rddreg [dreg:$0x1]  }
0x3: {  	s1 =	srdreg.scid;
	s0 =	stileid.u32  }
0x4: {  	s2 =	rddreg [dreg:$0x2];
	s3 =	simm.s32 $0x0;
	s10 =	smul.u32 $0x2710, s0  }
0x5: {  	s16 =	simm.s32 $0x8;
	s18 =	simm.s32 $0x0;
	s12 =	smul.u32 $0x2BF20, s0  }
0x6: {  	s7 =	sand.u32 $0x1, s1;
	s4 =	sshll.u32 s0, $0x1;
	s14 =	smul.u32 $0x13880, s0  }
0x7: {  	[smem:$0x7FF] =	sst s3;
	s29 =	sshll.u32 s0, $0x6;
	s8 =	smul.u32 $0x27100, s7  }
0x8: {  	s4 =	sor.u32 s7, s4;
	s26 =	ssub.s32 $0x2, s7;
	s7 =	smul.u32 $0x138800, s7  }
0x9: {  	_ =	strace $0x80000047;
	s5 =	smul.u32 $0x2800, s4;
	s4 =	sadd.s32 $0x2600, s6  }
0xa: {  	s13 =	sshrl.u32 s26, $0x1;
	s28 =	sshrl.u32 s12, $0x2;
	s8 =	sadd.s32 s10, s8  }
0xb: {  	s13 =	ssub.s32 s26, s13;
	s12 =	sadd.s32 s28, s2;
	s30 =	sadd.s32 s14, s7  }
0xc: {  	s14 =	simm.s32 $0x2800;
	s5 =	sshrl.u32 s5, $0x3;
	s8 =	sshrl.u32 s8, $0x4  }
0xd: {  	s31 =	sshrl.u32 s30, $0x4;
	s17 =	sadd.s32 $0x40, s12;
	s12 =	sshrl.u32 s12, $0x3  }
0xe: {  	s11 =	sadd.s32 s5, s6;
	s5 =	sadd.s32 $0x1000, s6;
	s15 =	sadd.s32 s8, s6  }
0xf: {  	s6 =	sor.u32 $0x1C09, s29;
	s9 =	sadd.s32 s9, s31;
	s17 =	sshrl.u32 s17, $0x3  }
0x10: {  	s7 =	sadd.s32 $0x18600, s11;
	s8 =	sadd.s32 $0x22600, s11;
	s10 =	sadd.s32 $0x2C600, s15  }
0x11: {  	s11 =	smax.u32 s13, $0x1;
	s13 =	simm.s32 $0x9;
	s15 =	simm.s32 $0x1  }
.LBB2_1:
0x12: {  	[spmem:s12], [sflag:s6] =	dma.local [hbm:s5], $0x15F9  }
0x13: {  	_ =	swait.ge [sflag:s13], $0x15F9  }
0x14: {  	[sflag:s13] =	ssyncset.done $0x0  }
0x15: {  	[sflag:s13] =	ssyncadd.s32 $0xFFFFEA07  }
0x16: {  	[tilespmem:s3], [sflag:$0x9] =	stream.linear.gather [hbm4b:s7+s3], $0x2800, $0x38;
	[tilespmem:$0x18C68] =	vst v63  }
0x17: {  	_ =	swait.ge [sflag:s13], $0x2800  }
0x18: {  	[sflag:s13] =	ssyncset.done $0x0  }
0x19: {  	[sflag:s13] =	ssyncadd.s32 $0xFFFFD800  }
0x1a: {  	[tilespmem:s14], [sflag:$0x9] =	stream.linear.gather [hbm4b:s8+s3], $0x2800, $0x38;
	[tilespmem:$0x18C68] =	vst v63  }
0x1b: {  	_ =	swait.ge [sflag:s13], $0x2800  }
0x1c: {  	[sflag:s13] =	ssyncset.done $0x0  }
0x1d: {  	p2 =	por $0x1, $0x1;
	[sflag:s13] =	ssyncadd.s32 $0xFFFFD800  }
0x1e: {  	p0 =	por $0x0, $0x0;
	s19 =	simm.s32 @!p2 $0x5;
	[bflag:$0x0] =	sbarrier.arrive $0xFFFF  }
0x1f: {  	p1 =	por $0x1, $0x1;
	p0 =	por p0, p0;
	_ =	swait.ge @!p2 [sflag:s19], $0x2328  }
0x20: {  	s20 =	simm.s32 @!p2 $0x3;
	s21 =	simm.s32 @!p0 $0x7D;
	[sflag:s19] =	ssyncset.done @!p2 $0x0  }
0x21: {  	s22 =	simm.s32 @!p0 $0x5000;
	[sflag:s19] =	ssyncadd.s32 @!p2 $0xFFFFDCD8;
	s19 =	simm.s32 @!p0 $0x0  }
0x22: {  	[tilespmem:s22], [sflag:$0x1] =	stream.indirect.gather @!p0 [hbm4b:s4+s21], $0x48, s19, s21, $0xb8;
	[tilespmem:$0x18C68] =	vst v63  }
0x23: {  	p3 =	por @!p1 $0x0, $0x0;
	s23 =	simm.s32 @!p2 $0x9650;
	_ =	swait.ge @!p2 [sflag:s20], $0x2328  }
0x24: {  	p1 =	por p3, p1;
	s19 =	simm.s32 @!p2 $0x2700;
	[sflag:s20] =	ssyncset.done @!p2 $0x0  }
0x25: {  	s22 =	simm.s32 @!p2 $0x7D;
	[sflag:s20] =	ssyncadd.s32 @!p2 $0xFFFFDCD8;
	s20 =	simm.s32 @!p1 $0x6  }
0x26: {  	[spmem:s2] =	stream.indirect.scatter.add.bf16 @!p2 [tilespmem:s23], [sflag:$0x7], $0x48, s19, s22, $0xb8;
	[tilespmem:$0x18C68] =	vst v63  }
0x27: {  	_ =	swait.ge @!p1 [sflag:s20], $0x2328  }
0x28: {  	s19 =	simm.s32 @!p0 $0x80;
	[sflag:s20] =	ssyncset.done @!p1 $0x0  }
0x29: {  	s22 =	simm.s32 @!p0 $0x7328;
	[sflag:s20] =	ssyncadd.s32 @!p1 $0xFFFFDCD8;
	s20 =	simm.s32 @!p1 $0x4  }
0x2a: {  	[tilespmem:s22], [sflag:$0x2] =	stream.indirect.gather @!p0 [hbm4b:s4+s21], $0x48, s19, s21, $0xb8;
	[tilespmem:$0x18C68] =	vst v63  }
0x2b: {  	p5 =	por $0x0, $0x0;
	p4 =	por $0x0, $0x0;
	_ =	swait.ge @!p1 [sflag:s20], $0x2328  }
0x2c: {  	s24 =	simm.s32 @!p1 $0xB978;
	s23 =	simm.s32 @!p1 $0x7D;
	[sflag:s20] =	ssyncset.done @!p1 $0x0  }
0x2d: {  	s19 =	simm.s32 @!p1 $0x2780;
	s22 =	simm.s32 @!p2 $0x7;
	[sflag:s20] =	ssyncadd.s32 @!p1 $0xFFFFDCD8  }
0x2e: {  	[spmem:s2] =	stream.indirect.scatter.add.bf16 @!p1 [tilespmem:s24], [sflag:$0x8], $0x48, s19, s23, $0xb8;
	[tilespmem:$0x18C68] =	vst v63  }
0x2f: {  	s29 =	simm.s32 @!p4 $0x2;
	s30 =	simm.s32 @!p4 $0x0;
	_ =	swait.ge @!p2 [sflag:s22], $0x2328  }
0x30: {  	p3 =	por $0x0, $0x0;
	s20 =	simm.s32 @!p0 $0x100;
	[sflag:s22] =	ssyncset.done @!p2 $0x0  }
0x31: {  	s23 =	simm.s32 @!p0 $0x9650;
	[sflag:s22] =	ssyncadd.s32 @!p2 $0xFFFFDCD8;
	s22 =	simm.s32 @!p3 $0x1  }
0x32: {  	[tilespmem:s23], [sflag:$0x3] =	stream.indirect.gather @!p0 [hbm4b:s4+s21], $0x48, s20, s21, $0xb8;
	[tilespmem:$0x18C68] =	vst v63  }
0x33: {  	s26 =	simm.s32 @!p0 $0x180;
	s31 =	simm.s32 @!p0 $0xB978;
	_ =	swait.ge @!p3 [sflag:s22], $0x2328  }
0x34: {  	s25 =	simm.s32 @!p3 $0x5000;
	s28 =	simm.s32 @!p1 $0x8;
	[sflag:s22] =	ssyncset.done @!p3 $0x0  }
0x35: {  	s24 =	simm.s32 @!p3 $0x7D;
	s20 =	simm.s32 @!p3 $0x2800;
	[sflag:s22] =	ssyncadd.s32 @!p3 $0xFFFFDCD8  }
0x36: {  	[spmem:s2] =	stream.indirect.scatter.add.bf16 @!p3 [tilespmem:s25], [sflag:$0x5], $0x48, s20, s24, $0xb8;
	[tilespmem:$0x18C68] =	vst v63  }
0x37: {  	s19 =	simm.s32 $0x800;
	s23 =	simm.s32 $0x1000;
	_ =	swait.ge @!p1 [sflag:s28], $0x2328  }
0x38: {  	s22 =	simm.s32 $0x1;
	s20 =	simm.s32 $0x7;
	[sflag:s28] =	ssyncset.done @!p1 $0x0  }
0x39: {  	[sflag:s28] =	ssyncadd.s32 @!p1 $0xFFFFDCD8;
	s28 =	simm.s32 @!p4 $0x7328;
	p1 =	por $0x0, $0x0  }
.LBB2_2:
0x3a: {  	[tilespmem:s31], [sflag:$0x4] =	stream.indirect.gather @!p0 [hbm4b:s4+s21], $0x48, s26, s21, $0xb8;
	[tilespmem:$0x18C68] =	vst v63  }
0x3b: {  	s24 =	smov.u32 s19  }
0x3c: {  	s19 =	smov.u32 s23;
	s25 =	smov.u32 s20;
	p0 =	por p5, p5  }
0x3d: {  	s26 =	simm.s32 @!p1 $0x5;
	s21 =	sshra.s32 @!p1 s24, $0x2;
	_ =	swait.ge @!p4 [sflag:s29], $0x2328  }
0x3e: {  	s31 =	sadd.s32 @!p1 $0x2700, s21;
	[sflag:s29] =	ssyncset.done @!p4 $0x0;
	s21 =	simm.s32 @!p4 $0x7D  }
0x3f: {  	p2 =	seq.s32 s22, $0x0;
	[sflag:s29] =	ssyncadd.s32 @!p4 $0xFFFFDCD8;
	s29 =	sadd.s32 @!p4 $0x2880, s30  }
0x40: {  	[spmem:s2] =	stream.indirect.scatter.add.bf16 @!p4 [tilespmem:s28], [sflag:$0x6], $0x48, s29, s21, $0xb8;
	[tilespmem:$0x18C68] =	vst v63  }
0x41: {  	p3 =	seq.s32 @!p2 s22, $0x15;
	s28 =	simm.s32 @!p1 $0x3;
	_ =	swait.ge @!p1 [sflag:s26], $0x2328  }
0x42: {  	s21 =	simm.s32 @!p0 $0x7D;
	s29 =	simm.s32 @!p0 $0x5000;
	[sflag:s26] =	ssyncset.done @!p1 $0x0  }
0x43: {  	s23 =	sadd.s32 $0x800, s23;
	[sflag:s26] =	ssyncadd.s32 @!p1 $0xFFFFDCD8;
	s26 =	sshra.s32 @!p0 s24, $0x2  }
0x44: {  	[tilespmem:s29], [sflag:$0x1] =	stream.indirect.gather @!p0 [hbm4b:s4+s21], $0x48, s26, s21, $0xb8;
	[tilespmem:$0x18C68] =	vst v63  }
0x45: {  	s30 =	simm.s32 @!p1 $0x9650;
	s29 =	simm.s32 @!p1 $0x7D;
	_ =	swait.ge @!p1 [sflag:s28], $0x2328  }
0x46: {  	p2 =	por p3, p2;
	s1 =	sadd.s32 @!p0 $0x80, s26;
	[sflag:s28] =	ssyncset.done @!p1 $0x0  }
0x47: {  	s0 =	sshra.s32 @!p2 s24, $0x2;
	[sflag:s28] =	ssyncadd.s32 @!p1 $0xFFFFDCD8;
	s28 =	simm.s32 @!p2 $0x6  }
0x48: {  	[spmem:s2] =	stream.indirect.scatter.add.bf16 @!p1 [tilespmem:s30], [sflag:$0x7], $0x48, s31, s29, $0xb8;
	[tilespmem:$0x18C68] =	vst v63  }
0x49: {  	s0 =	sadd.s32 @!p2 $0x2780, s0;
	s29 =	sadd.s32 @!p0 $0x100, s26;
	_ =	swait.ge @!p2 [sflag:s28], $0x2328  }
0x4a: {  	s30 =	simm.s32 @!p0 $0x7328;
	s26 =	sadd.s32 @!p0 $0x180, s26;
	[sflag:s28] =	ssyncset.done @!p2 $0x0  }
0x4b: {  	p3 =	sne.s32 s23, $0xB000;
	[sflag:s28] =	ssyncadd.s32 @!p2 $0xFFFFDCD8;
	s28 =	simm.s32 @!p2 $0x4  }
0x4c: {  	[tilespmem:s30], [sflag:$0x2] =	stream.indirect.gather @!p0 [hbm4b:s4+s21], $0x48, s1, s21, $0xb8;
	[tilespmem:$0x18C68] =	vst v63  }
0x4d: {  	s1 =	simm.s32 @!p1 $0x7;
	_ =	swait.ge @!p2 [sflag:s28], $0x2328  }
0x4e: {  	s31 =	simm.s32 @!p2 $0xB978;
	s30 =	simm.s32 @!p2 $0x7D;
	[sflag:s28] =	ssyncset.done @!p2 $0x0  }
0x4f: {  	[sflag:s28] =	ssyncadd.s32 @!p2 $0xFFFFDCD8  }
0x50: {  	[spmem:s2] =	stream.indirect.scatter.add.bf16 @!p2 [tilespmem:s31], [sflag:$0x8], $0x48, s0, s30, $0xb8;
	[tilespmem:$0x18C68] =	vst v63  }
0x51: {  	s0 =	sadd.s32 $0xFFFFFFFF, s20;
	_ =	swait.ge @!p1 [sflag:s1], $0x2328  }
0x52: {  	s28 =	simm.s32 @!p0 $0x9650;
	p4 =	sgt.u32 s0, $0x51;
	[sflag:s1] =	ssyncset.done @!p1 $0x0  }
0x53: {  	s0 =	simm.s32 @!p4 $0x1;
	[sflag:s1] =	ssyncadd.s32 @!p1 $0xFFFFDCD8;
	s1 =	sshra.s32 @!p4 s24, $0x2  }
0x54: {  	[tilespmem:s28], [sflag:$0x3] =	stream.indirect.gather @!p0 [hbm4b:s4+s21], $0x48, s29, s21, $0xb8;
	[tilespmem:$0x18C68] =	vst v63  }
0x55: {  	s1 =	sadd.s32 @!p4 $0x2800, s1;
	_ =	swait.ge @!p4 [sflag:s0], $0x2328  }
0x56: {  	s28 =	simm.s32 @!p4 $0x7D;
	s29 =	simm.s32 @!p4 $0x5000;
	[sflag:s0] =	ssyncset.done @!p4 $0x0  }
0x57: {  	s22 =	sadd.s32 $0x1, s22;
	[sflag:s0] =	ssyncadd.s32 @!p4 $0xFFFFDCD8;
	s0 =	simm.s32 @!p2 $0x8  }
0x58: {  	[spmem:s2] =	stream.indirect.scatter.add.bf16 @!p4 [tilespmem:s29], [sflag:$0x5], $0x48, s1, s28, $0xb8;
	[tilespmem:$0x18C68] =	vst v63  }
.Ltmp0:
0x59: {  	_ = 	snop;
	(pc) =	sbr.rel @p3 .LBB2_2-.Ltmp0, $4  }
0x5a: {  	p5 =	sgt.u32 s22, $0x13;
	s20 =	sadd.s32 $0x4, s20;
	_ =	swait.ge @!p2 [sflag:s0], $0x2328  }
0x5b: {  	s31 =	simm.s32 @!p0 $0xB978;
	p4 =	sgt.u32 s25, $0x51;
	[sflag:s0] =	ssyncset.done @!p2 $0x0  }
0x5c: {  	s1 =	sadd.s32 $0xFFFFFFF9, s20;
	s28 =	simm.s32 @!p4 $0x7328;
	[sflag:s0] =	ssyncadd.s32 @!p2 $0xFFFFDCD8  }
0x5d: {  	p1 =	sgt.u32 s1, $0x4F;
	s29 =	simm.s32 @!p4 $0x2;
	s30 =	sshra.s32 @!p4 s24, $0x2  }
0x5e: {  	[tilespmem:s31], [sflag:$0x4] =	stream.indirect.gather @!p0 [hbm4b:s4+s21], $0x48, s26, s21, $0xb8;
	[tilespmem:$0x18C68] =	vst v63  }
0x5f: {  	_ =	swait.ge @!p4 [sflag:s29], $0x2328  }
0x60: {  	p0 =	por p5, p5;
	s0 =	simm.s32 @!p1 $0x5;
	[sflag:s29] =	ssyncset.done @!p4 $0x0  }
0x61: {  	s1 =	simm.s32 @!p4 $0x7D;
	s21 =	sadd.s32 @!p4 $0x2880, s30;
	[sflag:s29] =	ssyncadd.s32 @!p4 $0xFFFFDCD8  }
0x62: {  	[spmem:s2] =	stream.indirect.scatter.add.bf16 @!p4 [tilespmem:s28], [sflag:$0x6], $0x48, s21, s1, $0xb8;
	[tilespmem:$0x18C68] =	vst v63  }
0x63: {  	p2 =	seq.s32 s22, $0x0;
	s23 =	simm.s32 @!p0 $0x7D;
	_ =	swait.ge @!p1 [sflag:s0], $0x2328  }
0x64: {  	s24 =	simm.s32 @!p0 $0x5000;
	p3 =	seq.s32 @!p2 s22, $0x15;
	[sflag:s0] =	ssyncset.done @!p1 $0x0  }
0x65: {  	s21 =	simm.s32 @!p1 $0x3;
	[sflag:s0] =	ssyncadd.s32 @!p1 $0xFFFFDCD8;
	s0 =	sshra.s32 @!p0 s19, $0x2  }
0x66: {  	[tilespmem:s24], [sflag:$0x1] =	stream.indirect.gather @!p0 [hbm4b:s4+s23], $0x48, s0, s23, $0xb8;
	[tilespmem:$0x18C68] =	vst v63  }
0x67: {  	s22 =	simm.s32 @!p1 $0x7D;
	s1 =	sshra.s32 @!p1 s19, $0x2;
	_ =	swait.ge @!p1 [sflag:s21], $0x2328  }
0x68: {  	p2 =	por p3, p2;
	s1 =	sadd.s32 @!p1 $0x2700, s1;
	[sflag:s21] =	ssyncset.done @!p1 $0x0  }
0x69: {  	s24 =	simm.s32 @!p1 $0x9650;
	[sflag:s21] =	ssyncadd.s32 @!p1 $0xFFFFDCD8;
	s21 =	simm.s32 @!p2 $0x6  }
0x6a: {  	[spmem:s2] =	stream.indirect.scatter.add.bf16 @!p1 [tilespmem:s24], [sflag:$0x7], $0x48, s1, s22, $0xb8;
	[tilespmem:$0x18C68] =	vst v63  }
0x6b: {  	_ =	swait.ge @!p2 [sflag:s21], $0x2328  }
0x6c: {  	s1 =	sadd.s32 @!p0 $0x80, s0;
	[sflag:s21] =	ssyncset.done @!p2 $0x0  }
0x6d: {  	s22 =	simm.s32 @!p0 $0x7328;
	[sflag:s21] =	ssyncadd.s32 @!p2 $0xFFFFDCD8;
	s21 =	simm.s32 @!p2 $0x4  }
0x6e: {  	[tilespmem:s22], [sflag:$0x2] =	stream.indirect.gather @!p0 [hbm4b:s4+s23], $0x48, s1, s23, $0xb8;
	[tilespmem:$0x18C68] =	vst v63  }
0x6f: {  	s25 =	simm.s32 @!p2 $0xB978;
	_ =	swait.ge @!p2 [sflag:s21], $0x2328  }
0x70: {  	s24 =	simm.s32 @!p2 $0x7D;
	s1 =	sshra.s32 @!p2 s19, $0x2;
	[sflag:s21] =	ssyncset.done @!p2 $0x0  }
0x71: {  	s22 =	simm.s32 @!p1 $0x7;
	s1 =	sadd.s32 @!p2 $0x2780, s1;
	[sflag:s21] =	ssyncadd.s32 @!p2 $0xFFFFDCD8  }
0x72: {  	[spmem:s2] =	stream.indirect.scatter.add.bf16 @!p2 [tilespmem:s25], [sflag:$0x8], $0x48, s1, s24, $0xb8;
	[tilespmem:$0x18C68] =	vst v63  }
0x73: {  	s31 =	sadd.s32 $0xFFFFFFFF, s20;
	_ =	swait.ge @!p1 [sflag:s22], $0x2328  }
0x74: {  	p3 =	sgt.u32 s31, $0x51;
	s21 =	sadd.s32 @!p0 $0x100, s0;
	[sflag:s22] =	ssyncset.done @!p1 $0x0  }
0x75: {  	s1 =	simm.s32 @!p0 $0x9650;
	[sflag:s22] =	ssyncadd.s32 @!p1 $0xFFFFDCD8;
	s22 =	simm.s32 @!p3 $0x1  }
0x76: {  	[tilespmem:s1], [sflag:$0x3] =	stream.indirect.gather @!p0 [hbm4b:s4+s23], $0x48, s21, s23, $0xb8;
	[tilespmem:$0x18C68] =	vst v63  }
0x77: {  	s24 =	simm.s32 @!p3 $0x5000;
	_ =	swait.ge @!p3 [sflag:s22], $0x2328  }
0x78: {  	s1 =	sshra.s32 @!p3 s19, $0x2;
	s21 =	simm.s32 @!p3 $0x7D;
	[sflag:s22] =	ssyncset.done @!p3 $0x0  }
0x79: {  	s1 =	sadd.s32 @!p3 $0x2800, s1;
	[sflag:s22] =	ssyncadd.s32 @!p3 $0xFFFFDCD8;
	s22 =	simm.s32 @!p2 $0x8  }
0x7a: {  	[spmem:s2] =	stream.indirect.scatter.add.bf16 @!p3 [tilespmem:s24], [sflag:$0x5], $0x48, s1, s21, $0xb8;
	[tilespmem:$0x18C68] =	vst v63  }
0x7b: {  	_ =	swait.ge @!p2 [sflag:s22], $0x2328  }
0x7c: {  	s0 =	sadd.s32 @!p0 $0x180, s0;
	p1 =	sgt.u32 s20, $0x51;
	[sflag:s22] =	ssyncset.done @!p2 $0x0  }
0x7d: {  	s20 =	simm.s32 @!p1 $0x2;
	s1 =	simm.s32 @!p0 $0xB978;
	[sflag:s22] =	ssyncadd.s32 @!p2 $0xFFFFDCD8  }
0x7e: {  	[tilespmem:s1], [sflag:$0x4] =	stream.indirect.gather @!p0 [hbm4b:s4+s23], $0x48, s0, s23, $0xb8;
	[tilespmem:$0x18C68] =	vst v63  }
0x7f: {  	_ =	swait.ge @!p1 [sflag:s20], $0x2328  }
0x80: {  	s0 =	simm.s32 @!p1 $0x7328;
	s1 =	sshra.s32 @!p1 s19, $0x2;
	[sflag:s20] =	ssyncset.done @!p1 $0x0  }
0x81: {  	s19 =	simm.s32 @!p1 $0x7D;
	s1 =	sadd.s32 @!p1 $0x2880, s1;
	[sflag:s20] =	ssyncadd.s32 @!p1 $0xFFFFDCD8  }
0x82: {  	[spmem:s2] =	stream.indirect.scatter.add.bf16 @!p1 [tilespmem:s0], [sflag:$0x6], $0x48, s1, s19, $0xb8;
	[tilespmem:$0x18C68] =	vst v63  }
0x83: {  	[bflag:$0x0] =	sbarrier.arrive $0xFFFF  }
0x84: {  	[hbm:s9@s16], [sflag:s6] =	dma.strided [spmem:s12@s13], $0x1388, s15, $0x8   }
0x85: {  	s18 =	sadd.s32 $0x1, s18;
	_ =	swait.ge [sflag:s13], $0x1388  }
0x86: {  	p0 =	sne.s32 s18, s11;
	[sflag:s13] =	ssyncset.done $0x0  }
.Ltmp1:
0x87: {  	[sflag:s13] =	ssyncadd.s32 $0xFFFFEC78;
	(pc) =	sbr.rel @p0 .LBB2_1-.Ltmp1, $4  }
0x88: {  	[hbm:s10@s15], [sflag:s6] =	dma.strided [spmem:s17@s13], $0x271, s15, $0x1   }
0x89: {  	_ =	swait.ge [sflag:s13], $0x271  }
0x8a: {  	[sflag:s13] =	ssyncset.done $0x0  }
0x8b: {  	[sflag:s13] =	ssyncadd.s32 $0xFFFFFD8F  }
0x8c: {  	_ =	sfence.sel $0x180000  }
0x8d: {  	[bflag:$0x0] =	sbarrier.arrive $0xFFFF  }
0x8e: {  	_ =	strace $0x90000047  }
0x8f: {  	s0 =	stileid.u32;
	[bflag:$0x2] =	sbarrier.arrive $0xFFFF  }
0x90: {  	p0 =	sne.s32 s0, $0x0;
	s0 =	rddreg [dreg:$0x3]  }
0x91: {  	s0 =	sadd.s32 @!p0 $0x100000, s0  }
0x92: {  	[sflag:s0] =	ssyncadd.tile.s32 @!p0 $0x1;
	_ =	shalt  }
.Lfunc_end2:
_tile_overlayer_lowered:
.L_overlay_start_2:
0x93: {  	(tag) =	ssettag $0x2  }
0x94: {  	s0 =	rddreg [dreg:$0x0];
	s2 =	stileid.u32  }
0x95: {  	s1 =	rddreg [dreg:$0x1];
	p0 =	sne.s32 s2, $0x0  }
0x96: {  	s3 =	rddreg [dreg:$0x2];
	[bflag:$0x3] =	sbarrier.arrive $0xFFFF;
	s2 =	simm.s32 @!p0 $0x1C09  }
0x97: {  	[timem:s3], [sflag:s2] =	dma.local @!p0 [hbm:s0], s1  }
0x98: {  	s0 =	simm.s32 @!p0 $0x9  }
0x99: {  	_ =	swait.ge @!p0 [sflag:s0], s1  }
0x9a: {  	s1 =	ssub.s32 @!p0 $0x0, s1;
	[sflag:s0] =	ssyncset.done @!p0 $0x0  }
0x9b: {  	[sflag:s0] =	ssyncadd.s32 @!p0 s1  }
0x9c: {  	[bflag:$0x3] =	sbarrier.arrive $0xFFFF  }
0x9d: {  	_ =	shalt  }

</sc_bundles>
